<compile_context>
chip_gen: v7x
topology: tpu7x:2x2x1
jax: 0.10.2.dev20260603
libtpu: 0.0.44.dev20260713+nightly
codegen_flags: <defaults>
</compile_context>

<pallas_src>
import jax
import jax.numpy as jnp
from jax import lax
from jax.experimental import pallas as pl
from jax.experimental.pallas import tpu as pltpu
from jax.experimental.pallas import tpu_sc as plsc

D = 128
S = 8192
C = 26
B = 16384
L = 16
CHUNK = 64
NV = B // L
CC = 64
NBUF = 8
KLAG = 4
NG = 13
CPW = NG * NBUF
SPC = S // L // NBUF * NBUF
ROWS_PER_SUB = S // 16


def _body(emb, lab, ptrs, banks, out, ptrspad,
          lab_v, src_v, idx_src, idx_w, ptr_v, scr16, cnt_v,
          cbufs, cin_sems, cout_sems):
    ncores = 2
    core = lax.axis_index("c")
    sub = lax.axis_index("s")
    wid = sub * ncores + core

    pltpu.sync_copy(lab, lab_v)
    pltpu.sync_copy(ptrs, ptr_v)
    cvec = jnp.full((L,), wid, jnp.int32)
    pvec = plsc.load_gather(ptr_v, [jnp.minimum(cvec, C - 1)])
    lane = lax.iota(jnp.int32, L)

    def _cbase(g, off):
        q, r = divmod(off, NBUF)
        return (2 * (g + q) + core) * S + sub * ROWS_PER_SUB + r * CC

    def _cin(buf, g, off, b):
        return pltpu.make_async_copy(
            banks.at[pl.ds(_cbase(g, off), CC)], buf(b), cin_sems[b])

    def _cout(buf, g, off, b):
        return pltpu.make_async_copy(
            buf(b), out.at[pl.ds(_cbase(g, off), CC)], cout_sems[b])

    def scan_body(v, cur):
        l16 = lab_v[pl.ds(v * L, L)]
        m = l16 == cvec
        ids = lane + v * L
        plsc.store_compressed(src_v.at[pl.ds(cur, L)], ids, mask=m)
        return cur + jnp.sum(m.astype(jnp.int32))

    def run_ring(buf):
        for i in range(KLAG):
            _cin(buf, 0, i, i).start()

        def cbody(g, cur):
            cur = lax.fori_loop(g * NV // NG, (g + 1) * NV // NG,
                                scan_body, cur)
            for b in range(NBUF):
                t = g * NBUF + b
                _cin(buf, g, b, b).wait()
                _cout(buf, g, b, b).start()
                if b >= KLAG:
                    _cout(buf, g, b - KLAG, b - KLAG).wait()
                else:
                    @pl.when(g > 0)
                    def _wout():
                        _cout(buf, g - 1, b - KLAG + NBUF,
                              b - KLAG + NBUF).wait()

                @pl.when(t + KLAG < CPW)
                def _nin():
                    _cin(buf, g, b + KLAG, (b + KLAG) % NBUF).start()

            return cur

        cnt = lax.fori_loop(0, NG, cbody, 0)
        for i in range(NBUF - KLAG, NBUF):
            _cout(buf, NG - 1, i, i).wait()
        cnt_v[...] = jnp.full((L,), cnt, jnp.int32)

    run_ring(lambda b: cbufs[b])
    cnt = cnt_v[...][0]

    @pl.when(wid < C)
    def _wptr():
        scr16[...] = (pvec + cnt) & (S - 1)
        pltpu.sync_copy(scr16, ptrspad.at[wid])

    plsc.subcore_barrier()

    @pl.when(wid < C)
    def _scatter():
        c = wid
        nch = (cnt + CHUNK - 1) // CHUNK

        def build_idx(t, b):
            k0 = t * CHUNK
            for t2 in range(CHUNK // L):
                j = k0 + t2 * L + lane
                je = jnp.minimum(j, cnt - 1)
                sidx = plsc.load_gather(src_v, [je])
                idx_src[b, pl.ds(t2 * L, L)] = sidx
                idx_w[b, pl.ds(t2 * L, L)] = c * S + ((pvec + je) & (S - 1))

        def _gat(b):
            return pltpu.make_async_copy(
                emb.at[idx_src.at[b]], cbufs[b], cin_sems[b])

        def _sct(b):
            return pltpu.make_async_copy(
                cbufs[b], out.at[idx_w.at[b]], cout_sems[b])

        @pl.when(nch > 0)
        def _prol():
            build_idx(0, 0)
            _gat(0).start()

        def pair_body(g, carry):
            for b in range(2):
                t = g * 2 + b

                @pl.when(t < nch)
                def _step():
                    _gat(b).wait()

                    @pl.when(t + 1 < nch)
                    def _nxt():
                        build_idx(t + 1, 1 - b)
                        _gat(1 - b).start()

                    _sct(b).start()
                    _sct(b).wait()

            return carry

        lax.fori_loop(0, (nch + 1) // 2, pair_body, 0)


_sc_call = pl.kernel(
    _body,
    out_type=[
        jax.ShapeDtypeStruct((C * S, D), jnp.float32),
        jax.ShapeDtypeStruct((C, L), jnp.int32),
    ],
    mesh=plsc.VectorSubcoreMesh(core_axis_name="c", subcore_axis_name="s"),
    compiler_params=pltpu.CompilerParams(needs_layout_passes=False),
    scratch_types=[
        pltpu.VMEM((B,), jnp.int32),
        pltpu.VMEM((B,), jnp.int32),
        pltpu.VMEM((2, CHUNK), jnp.int32),
        pltpu.VMEM((2, CHUNK), jnp.int32),
        pltpu.VMEM((32,), jnp.int32),
        pltpu.VMEM((L,), jnp.int32),
        pltpu.VMEM((L,), jnp.int32),
        [pltpu.VMEM((CC, D), jnp.float32) for _ in range(NBUF)],
        [pltpu.SemaphoreType.DMA for _ in range(NBUF)],
        [pltpu.SemaphoreType.DMA for _ in range(NBUF)],
    ],
)


def kernel(embeddings, labels, banks, ptrs):
    banks_flat = banks.reshape(C * S, D)
    ptrs_pad = jnp.pad(ptrs, (0, 32 - C))
    out_flat, ptrspad = _sc_call(embeddings, labels, ptrs_pad, banks_flat)
    return out_flat.reshape(C, S, D), ptrspad[:, 0]

# --- scband reference (transcript-rebuilt; emitter-appended) ---
"""Pipeline reference for scband-momentum-memory-bank-55379308314895 (READ-ONLY COPY).

The authoritative reference and input builder live on the scoring server;
editing this copy changes nothing except your own understanding.
"""

import jax, jax.numpy as jnp
import numpy as np

EMBED_DIM = 128
BANK_SIZE = 8192
N_CLASSES = 26
BATCH = 16384


def setup_inputs(seed: int = 0) -> dict:
    key = jax.random.key(seed)
    k1, k2, k3 = jax.random.split(key, 3)
    embeddings = jax.random.normal(k1, (BATCH, EMBED_DIM), dtype=jnp.float32)
    labels = jax.random.randint(k2, (BATCH,), 0, N_CLASSES, dtype=jnp.int32)
    # per-class ring buffers, initialized with L2-normalized random rows
    banks = jax.random.normal(k3, (N_CLASSES, BANK_SIZE, EMBED_DIM), dtype=jnp.float32)
    banks = banks / jnp.linalg.norm(banks, axis=-1, keepdims=True)
    ptrs = jnp.zeros((N_CLASSES,), dtype=jnp.int32)
    return {"embeddings": embeddings, "labels": labels, "banks": banks, "ptrs": ptrs}


def reference(embeddings, labels, banks, ptrs):
    """Functional equivalent of MomentumMemoryBank.update: FIFO enqueue of
    embeddings into per-class ring buffers (scatter-overwrite).

    For item i with label c, its slot is (ptr[c] + rank_of_i_within_class_c) % BANK_SIZE,
    which reproduces the torch slice/wraparound logic exactly (assuming per-class
    count <= BANK_SIZE, as in the original).
    """
    B = embeddings.shape[0]
    # stable rank of each item within its class (order-preserving, like embeddings[mask])
    order = jnp.argsort(labels)  # jax sort is stable
    sorted_labels = labels[order]
    group_start = jnp.searchsorted(sorted_labels, sorted_labels, side='left')
    occ_sorted = (jnp.arange(B) - group_start).astype(jnp.int32)
    occ = jnp.zeros((B,), dtype=jnp.int32).at[order].set(occ_sorted)
    pos = (ptrs[labels] + occ) % BANK_SIZE
    # scatter-overwrite into the ring buffers
    banks_new = banks.at[labels, pos].set(embeddings)
    counts = jnp.bincount(labels, length=N_CLASSES).astype(jnp.int32)
    ptrs_new = (ptrs + counts) % BANK_SIZE
    return banks_new, ptrs_new

if __name__ == "__main__":
    import jax
    _d = setup_inputs()
    print(jax.jit(kernel)(*tuple(_d.values())))

</pallas_src>

<mosaic_0001>
#map = affine_map<(d0, d1) -> (0, 0)>
#map1 = affine_map<(d0, d1) -> (0)>
module attributes {stable_mosaic.version = 14 : i64} {
  func.func @_body(%arg0: i32, %arg1: i32, %arg2: memref<16384x128xf32, #tpu.memory_space<hbm>>, %arg3: memref<16384xi32, #tpu.memory_space<hbm>>, %arg4: memref<32xi32, #tpu.memory_space<hbm>>, %arg5: memref<212992x128xf32, #tpu.memory_space<hbm>>, %arg6: memref<212992x128xf32, #tpu.memory_space<hbm>>, %arg7: memref<26x16xi32, #tpu.memory_space<hbm>>, %arg8: memref<16384xi32, #tpu.memory_space<vmem>>, %arg9: memref<16384xi32, #tpu.memory_space<vmem>>, %arg10: memref<2x64xi32, #tpu.memory_space<vmem>>, %arg11: memref<2x64xi32, #tpu.memory_space<vmem>>, %arg12: memref<32xi32, #tpu.memory_space<vmem>>, %arg13: memref<16xi32, #tpu.memory_space<vmem>>, %arg14: memref<16xi32, #tpu.memory_space<vmem>>, %arg15: memref<64x128xf32, #tpu.memory_space<vmem>>, %arg16: memref<64x128xf32, #tpu.memory_space<vmem>>, %arg17: memref<64x128xf32, #tpu.memory_space<vmem>>, %arg18: memref<64x128xf32, #tpu.memory_space<vmem>>, %arg19: memref<64x128xf32, #tpu.memory_space<vmem>>, %arg20: memref<64x128xf32, #tpu.memory_space<vmem>>, %arg21: memref<64x128xf32, #tpu.memory_space<vmem>>, %arg22: memref<64x128xf32, #tpu.memory_space<vmem>>, %arg23: memref<!tpu.dma_semaphore, #tpu.memory_space<semaphore_mem>>, %arg24: memref<!tpu.dma_semaphore, #tpu.memory_space<semaphore_mem>>, %arg25: memref<!tpu.dma_semaphore, #tpu.memory_space<semaphore_mem>>, %arg26: memref<!tpu.dma_semaphore, #tpu.memory_space<semaphore_mem>>, %arg27: memref<!tpu.dma_semaphore, #tpu.memory_space<semaphore_mem>>, %arg28: memref<!tpu.dma_semaphore, #tpu.memory_space<semaphore_mem>>, %arg29: memref<!tpu.dma_semaphore, #tpu.memory_space<semaphore_mem>>, %arg30: memref<!tpu.dma_semaphore, #tpu.memory_space<semaphore_mem>>, %arg31: memref<!tpu.dma_semaphore, #tpu.memory_space<semaphore_mem>>, %arg32: memref<!tpu.dma_semaphore, #tpu.memory_space<semaphore_mem>>, %arg33: memref<!tpu.dma_semaphore, #tpu.memory_space<semaphore_mem>>, %arg34: memref<!tpu.dma_semaphore, #tpu.memory_space<semaphore_mem>>, %arg35: memref<!tpu.dma_semaphore, #tpu.memory_space<semaphore_mem>>, %arg36: memref<!tpu.dma_semaphore, #tpu.memory_space<semaphore_mem>>, %arg37: memref<!tpu.dma_semaphore, #tpu.memory_space<semaphore_mem>>, %arg38: memref<!tpu.dma_semaphore, #tpu.memory_space<semaphore_mem>>) attributes {dimension_semantics = [#tpu.dimension_semantics<core_parallel>, #tpu.dimension_semantics<subcore_parallel>], iteration_bounds = array<i64: 2, 16>, scalar_prefetch = 0 : i64, scratch_operands = 31 : i64, tpu.core_type = #tpu.core_type<sc_vector_subcore>, window_params = [{transform_indices = #map}, {transform_indices = #map1}, {transform_indices = #map1}, {transform_indices = #map}, {transform_indices = #map}, {transform_indices = #map}]} {
    %mul3A = arith.constant 2 : i32
    %mul3A_0 = arith.muli %arg1, %mul3A : i32
    %add3A = arith.addi %mul3A_0, %arg0 : i32
    "tpu.region"() ({
      %run_scoped3A = tpu.sem_alloc : memref<!tpu.dma_semaphore, #tpu.memory_space<semaphore_mem>>
      tpu.enqueue_dma source(%arg3 : memref<16384xi32, #tpu.memory_space<hbm>>) target(%arg8 : memref<16384xi32, #tpu.memory_space<vmem>>) target_semaphore(%run_scoped3A : memref<!tpu.dma_semaphore, #tpu.memory_space<semaphore_mem>>)
      tpu.wait_dma2 semaphore(%run_scoped3A : memref<!tpu.dma_semaphore, #tpu.memory_space<semaphore_mem>>) src(%arg3 : memref<16384xi32, #tpu.memory_space<hbm>>) dst(%arg8 : memref<16384xi32, #tpu.memory_space<vmem>>)
      tpu.yield
    }) : () -> ()
    "tpu.region"() ({
      %run_scoped3A = tpu.sem_alloc : memref<!tpu.dma_semaphore, #tpu.memory_space<semaphore_mem>>
      tpu.enqueue_dma source(%arg4 : memref<32xi32, #tpu.memory_space<hbm>>) target(%arg12 : memref<32xi32, #tpu.memory_space<vmem>>) target_semaphore(%run_scoped3A : memref<!tpu.dma_semaphore, #tpu.memory_space<semaphore_mem>>)
      tpu.wait_dma2 semaphore(%run_scoped3A : memref<!tpu.dma_semaphore, #tpu.memory_space<semaphore_mem>>) src(%arg4 : memref<32xi32, #tpu.memory_space<hbm>>) dst(%arg12 : memref<32xi32, #tpu.memory_space<vmem>>)
      tpu.yield
    }) : () -> ()
    %broadcast_in_dim3A = vector.broadcast %add3A : i32 to vector<16xi32>
    %min3A = arith.constant 25 : i32
    %min3A_1 = vector.broadcast %min3A : i32 to vector<16xi32>
    %min3A_2 = arith.minsi %broadcast_in_dim3A, %min3A_1 : vector<16xi32>
    %gather3A = tpu.vector_load_idx %arg12[%min3A_2] : memref<32xi32, #tpu.memory_space<vmem>>[vector<16xi32>], vector<16xi32>,
    %iota3A = tpu.iota {dimensions = array<i32: 0>} : vector<16xi32>
    %add3A_3 = arith.constant 0 : i32
    %add3A_4 = arith.addi %add3A_3, %arg0 : i32
    %mul3A_5 = arith.constant 8192 : i32
    %mul3A_6 = arith.muli %add3A_4, %mul3A_5 : i32
    %mul3A_7 = arith.constant 512 : i32
    %mul3A_8 = arith.muli %arg1, %mul3A_7 : i32
    %add3A_9 = arith.addi %mul3A_6, %mul3A_8 : i32
    %add3A_10 = arith.constant 0 : i32
    %add3A_11 = arith.addi %add3A_9, %add3A_10 : i32
    %dma_start3A = arith.constant 0 : i32
    %dma_start3A_12 = tpu.memref_slice %arg5[%add3A_11, %dma_start3A] : memref<212992x128xf32, #tpu.memory_space<hbm>> -> memref<64x128xf32, #tpu.memory_space<hbm>>
    %dma_start3A_13 = arith.constant 0 : i32
    %dma_start3A_14 = tpu.memref_slice %arg5[%add3A_11, %dma_start3A_13] : memref<212992x128xf32, #tpu.memory_space<hbm>> -> memref<64x128xf32, #tpu.memory_space<hbm>>
    tpu.enqueue_dma source(%dma_start3A_14 : memref<64x128xf32, #tpu.memory_space<hbm>>) target(%arg15 : memref<64x128xf32, #tpu.memory_space<vmem>>) target_semaphore(%arg23 : memref<!tpu.dma_semaphore, #tpu.memory_space<semaphore_mem>>)
    %add3A_15 = arith.constant 0 : i32
    %add3A_16 = arith.addi %add3A_15, %arg0 : i32
    %mul3A_17 = arith.constant 8192 : i32
    %mul3A_18 = arith.muli %add3A_16, %mul3A_17 : i32
    %mul3A_19 = arith.constant 512 : i32
    %mul3A_20 = arith.muli %arg1, %mul3A_19 : i32
    %add3A_21 = arith.addi %mul3A_18, %mul3A_20 : i32
    %add3A_22 = arith.constant 64 : i32
    %add3A_23 = arith.addi %add3A_21, %add3A_22 : i32
    %dma_start3A_24 = arith.constant 0 : i32
    %dma_start3A_25 = tpu.memref_slice %arg5[%add3A_23, %dma_start3A_24] : memref<212992x128xf32, #tpu.memory_space<hbm>> -> memref<64x128xf32, #tpu.memory_space<hbm>>
    %dma_start3A_26 = arith.constant 0 : i32
    %dma_start3A_27 = tpu.memref_slice %arg5[%add3A_23, %dma_start3A_26] : memref<212992x128xf32, #tpu.memory_space<hbm>> -> memref<64x128xf32, #tpu.memory_space<hbm>>
    tpu.enqueue_dma source(%dma_start3A_27 : memref<64x128xf32, #tpu.memory_space<hbm>>) target(%arg16 : memref<64x128xf32, #tpu.memory_space<vmem>>) target_semaphore(%arg24 : memref<!tpu.dma_semaphore, #tpu.memory_space<semaphore_mem>>)
    %add3A_28 = arith.constant 0 : i32
    %add3A_29 = arith.addi %add3A_28, %arg0 : i32
    %mul3A_30 = arith.constant 8192 : i32
    %mul3A_31 = arith.muli %add3A_29, %mul3A_30 : i32
    %mul3A_32 = arith.constant 512 : i32
    %mul3A_33 = arith.muli %arg1, %mul3A_32 : i32
    %add3A_34 = arith.addi %mul3A_31, %mul3A_33 : i32
    %add3A_35 = arith.constant 128 : i32
    %add3A_36 = arith.addi %add3A_34, %add3A_35 : i32
    %dma_start3A_37 = arith.constant 0 : i32
    %dma_start3A_38 = tpu.memref_slice %arg5[%add3A_36, %dma_start3A_37] : memref<212992x128xf32, #tpu.memory_space<hbm>> -> memref<64x128xf32, #tpu.memory_space<hbm>>
    %dma_start3A_39 = arith.constant 0 : i32
    %dma_start3A_40 = tpu.memref_slice %arg5[%add3A_36, %dma_start3A_39] : memref<212992x128xf32, #tpu.memory_space<hbm>> -> memref<64x128xf32, #tpu.memory_space<hbm>>
    tpu.enqueue_dma source(%dma_start3A_40 : memref<64x128xf32, #tpu.memory_space<hbm>>) target(%arg17 : memref<64x128xf32, #tpu.memory_space<vmem>>) target_semaphore(%arg25 : memref<!tpu.dma_semaphore, #tpu.memory_space<semaphore_mem>>)
    %add3A_41 = arith.constant 0 : i32
    %add3A_42 = arith.addi %add3A_41, %arg0 : i32
    %mul3A_43 = arith.constant 8192 : i32
    %mul3A_44 = arith.muli %add3A_42, %mul3A_43 : i32
    %mul3A_45 = arith.constant 512 : i32
    %mul3A_46 = arith.muli %arg1, %mul3A_45 : i32
    %add3A_47 = arith.addi %mul3A_44, %mul3A_46 : i32
    %add3A_48 = arith.constant 192 : i32
    %add3A_49 = arith.addi %add3A_47, %add3A_48 : i32
    %dma_start3A_50 = arith.constant 0 : i32
    %dma_start3A_51 = tpu.memref_slice %arg5[%add3A_49, %dma_start3A_50] : memref<212992x128xf32, #tpu.memory_space<hbm>> -> memref<64x128xf32, #tpu.memory_space<hbm>>
    %dma_start3A_52 = arith.constant 0 : i32
    %dma_start3A_53 = tpu.memref_slice %arg5[%add3A_49, %dma_start3A_52] : memref<212992x128xf32, #tpu.memory_space<hbm>> -> memref<64x128xf32, #tpu.memory_space<hbm>>
    tpu.enqueue_dma source(%dma_start3A_53 : memref<64x128xf32, #tpu.memory_space<hbm>>) target(%arg18 : memref<64x128xf32, #tpu.memory_space<vmem>>) target_semaphore(%arg26 : memref<!tpu.dma_semaphore, #tpu.memory_space<semaphore_mem>>)
    %scan3A = arith.constant 0 : i32
    %scan3A_54 = arith.constant 0 : i32
    %scan3A_55 = arith.constant 13 : i32
    %scan3A_56 = arith.addi %scan3A_54, %scan3A_55 : i32
    %scan3A_57 = arith.constant 1 : i32
    %scan3A_58 = scf.for %scan3A_121 = %scan3A_54 to %scan3A_56 step %scan3A_57 iter_args(%scan3A_122 = %scan3A) -> (i32)  : i32 {
      %mul3A_123 = arith.constant 1024 : i32
      %mul3A_124 = arith.muli %scan3A_121, %mul3A_123 : i32
      %jit3A = arith.constant 13 : i32
      %div3A = arith.divsi %mul3A_124, %jit3A : i32
      %sign3A = arith.constant 0 : i32
      %sign3A_125 = arith.cmpi sgt, %mul3A_124, %sign3A : i32
      %sign3A_126 = arith.extui %sign3A_125 : i1 to i32
      %sign3A_127 = arith.constant 0 : i32
      %sign3A_128 = arith.cmpi slt, %mul3A_124, %sign3A_127 : i32
      %sign3A_129 = arith.extui %sign3A_128 : i1 to i32
      %sign3A_130 = arith.subi %sign3A_126, %sign3A_129 : i32
      %sign3A_131 = arith.constant 0 : i32
      %sign3A_132 = arith.cmpi sgt, %jit3A, %sign3A_131 : i32
      %sign3A_133 = arith.extui %sign3A_132 : i1 to i32
      %sign3A_134 = arith.constant 0 : i32
      %sign3A_135 = arith.cmpi slt, %jit3A, %sign3A_134 : i32
      %sign3A_136 = arith.extui %sign3A_135 : i1 to i32
      %sign3A_137 = arith.subi %sign3A_133, %sign3A_136 : i32
      %ne3A = arith.cmpi ne, %sign3A_130, %sign3A_137 : i32
      %rem3A = arith.remsi %mul3A_124, %jit3A : i32
      %ne3A_138 = arith.constant 0 : i32
      %ne3A_139 = arith.cmpi ne, %rem3A, %ne3A_138 : i32
      %and3A = arith.andi %ne3A, %ne3A_139 : i1
      %sub3A = arith.constant 1 : i32
      %sub3A_140 = arith.subi %div3A, %sub3A : i32
      %select_n3A = arith.select %and3A, %sub3A_140, %div3A : i32
      %add3A_141 = arith.constant 1 : i32
      %add3A_142 = arith.addi %scan3A_121, %add3A_141 : i32
      %mul3A_143 = arith.constant 1024 : i32
      %mul3A_144 = arith.muli %add3A_142, %mul3A_143 : i32
      %jit3A_145 = arith.constant 13 : i32
      %div3A_146 = arith.divsi %mul3A_144, %jit3A_145 : i32
      %sign3A_147 = arith.constant 0 : i32
      %sign3A_148 = arith.cmpi sgt, %mul3A_144, %sign3A_147 : i32
      %sign3A_149 = arith.extui %sign3A_148 : i1 to i32
      %sign3A_150 = arith.constant 0 : i32
      %sign3A_151 = arith.cmpi slt, %mul3A_144, %sign3A_150 : i32
      %sign3A_152 = arith.extui %sign3A_151 : i1 to i32
      %sign3A_153 = arith.subi %sign3A_149, %sign3A_152 : i32
      %sign3A_154 = arith.constant 0 : i32
      %sign3A_155 = arith.cmpi sgt, %jit3A_145, %sign3A_154 : i32
      %sign3A_156 = arith.extui %sign3A_155 : i1 to i32
      %sign3A_157 = arith.constant 0 : i32
      %sign3A_158 = arith.cmpi slt, %jit3A_145, %sign3A_157 : i32
      %sign3A_159 = arith.extui %sign3A_158 : i1 to i32
      %sign3A_160 = arith.subi %sign3A_156, %sign3A_159 : i32
      %ne3A_161 = arith.cmpi ne, %sign3A_153, %sign3A_160 : i32
      %rem3A_162 = arith.remsi %mul3A_144, %jit3A_145 : i32
      %ne3A_163 = arith.constant 0 : i32
      %ne3A_164 = arith.cmpi ne, %rem3A_162, %ne3A_163 : i32
      %and3A_165 = arith.andi %ne3A_161, %ne3A_164 : i1
      %sub3A_166 = arith.constant 1 : i32
      %sub3A_167 = arith.subi %div3A_146, %sub3A_166 : i32
      %select_n3A_168 = arith.select %and3A_165, %sub3A_167, %div3A_146 : i32
      %while3A = arith.subi %select_n3A_168, %select_n3A : i32
      %while3A_169 = arith.addi %select_n3A, %while3A : i32
      %while3A_170 = arith.constant 1 : i32
      %while3A_171 = arith.divsi %while3A, %while3A_170 : i32
      %while3A_172 = arith.muli %while3A_171, %while3A_170 : i32
      %while3A_173 = arith.addi %select_n3A, %while3A_172 : i32
      %while3A_174 = arith.constant 1 : i32
      %while3A_175 = scf.for %while3A_605 = %select_n3A to %while3A_173 step %while3A_174 iter_args(%while3A_606 = %scan3A_122) -> (i32)  : i32 {
        %mul3A_607 = arith.constant 16 : i32
        %mul3A_608 = arith.muli %while3A_605, %mul3A_607 : i32
        %get3A_609 = arith.index_cast %mul3A_608 : i32 to index
        %get3A_610 = tpu.vector_load %arg8[%get3A_609] {strides = array<i32>} : memref<16384xi32, #tpu.memory_space<vmem>>, vector<16xi32>,
        %eq3A = arith.cmpi eq, %get3A_610, %broadcast_in_dim3A : vector<16xi32>
        %mul3A_611 = arith.constant 16 : i32
        %mul3A_612 = arith.muli %while3A_605, %mul3A_611 : i32
        %add3A_613 = vector.broadcast %mul3A_612 : i32 to vector<16xi32>
        %add3A_614 = arith.addi %iota3A, %add3A_613 : vector<16xi32>
        %swap3A_615 = arith.index_cast %while3A_606 : i32 to index
        %swap3A_616 = tpu.vector_load %arg9[%swap3A_615] masked %eq3A {strides = array<i32>} : memref<16384xi32, #tpu.memory_space<vmem>>, vector<16xi32>, vector<16xi1>
        tpu.vector_store %arg9[%swap3A_615], %add3A_614 masked %eq3A {strides = array<i32>} : memref<16384xi32, #tpu.memory_space<vmem>>, vector<16xi32>, vector<16xi1>
        %convert_element_type3A_617 = arith.extui %eq3A : vector<16xi1> to vector<16xi32>
        %reduce_sum3A = arith.constant true
        %reduce_sum3A_618 = vector.broadcast %reduce_sum3A : i1 to vector<16xi1>
        %reduce_sum3A_619 = tpu.scan <sum>, %convert_element_type3A_617 masked %reduce_sum3A_618 : vector<16xi32>, vector<16xi1> -> vector<16xi32>
        %reduce_sum3A_620 = vector.extract %reduce_sum3A_619[15] : i32 from vector<16xi32>
        %add3A_621 = arith.addi %while3A_606, %reduce_sum3A_620 : i32
        scf.yield %add3A_621 : i32
      }
      %while3A_176 = arith.constant 1 : i32
      %while3A_177 = scf.for %while3A_605 = %while3A_173 to %while3A_169 step %while3A_176 iter_args(%while3A_606 = %while3A_175) -> (i32)  : i32 {
        %mul3A_607 = arith.constant 16 : i32
        %mul3A_608 = arith.muli %while3A_605, %mul3A_607 : i32
        %get3A_609 = arith.index_cast %mul3A_608 : i32 to index
        %get3A_610 = tpu.vector_load %arg8[%get3A_609] {strides = array<i32>} : memref<16384xi32, #tpu.memory_space<vmem>>, vector<16xi32>,
        %eq3A = arith.cmpi eq, %get3A_610, %broadcast_in_dim3A : vector<16xi32>
        %mul3A_611 = arith.constant 16 : i32
        %mul3A_612 = arith.muli %while3A_605, %mul3A_611 : i32
        %add3A_613 = vector.broadcast %mul3A_612 : i32 to vector<16xi32>
        %add3A_614 = arith.addi %iota3A, %add3A_613 : vector<16xi32>
        %swap3A_615 = arith.index_cast %while3A_606 : i32 to index
        %swap3A_616 = tpu.vector_load %arg9[%swap3A_615] masked %eq3A {strides = array<i32>} : memref<16384xi32, #tpu.memory_space<vmem>>, vector<16xi32>, vector<16xi1>
        tpu.vector_store %arg9[%swap3A_615], %add3A_614 masked %eq3A {strides = array<i32>} : memref<16384xi32, #tpu.memory_space<vmem>>, vector<16xi32>, vector<16xi1>
        %convert_element_type3A_617 = arith.extui %eq3A : vector<16xi1> to vector<16xi32>
        %reduce_sum3A = arith.constant true
        %reduce_sum3A_618 = vector.broadcast %reduce_sum3A : i1 to vector<16xi1>
        %reduce_sum3A_619 = tpu.scan <sum>, %convert_element_type3A_617 masked %reduce_sum3A_618 : vector<16xi32>, vector<16xi1> -> vector<16xi32>
        %reduce_sum3A_620 = vector.extract %reduce_sum3A_619[15] : i32 from vector<16xi32>
        %add3A_621 = arith.addi %while3A_606, %reduce_sum3A_620 : i32
        scf.yield %add3A_621 : i32
      }
      %mul3A_178 = arith.constant 8 : i32
      %mul3A_179 = arith.muli %scan3A_121, %mul3A_178 : i32
      %add3A_180 = arith.constant 0 : i32
      %add3A_181 = arith.addi %mul3A_179, %add3A_180 : i32
      %add3A_182 = arith.constant 0 : i32
      %add3A_183 = arith.addi %scan3A_121, %add3A_182 : i32
      %mul3A_184 = arith.constant 2 : i32
      %mul3A_185 = arith.muli %mul3A_184, %add3A_183 : i32
      %add3A_186 = arith.addi %mul3A_185, %arg0 : i32
      %mul3A_187 = arith.constant 8192 : i32
      %mul3A_188 = arith.muli %add3A_186, %mul3A_187 : i32
      %mul3A_189 = arith.constant 512 : i32
      %mul3A_190 = arith.muli %arg1, %mul3A_189 : i32
      %add3A_191 = arith.addi %mul3A_188, %mul3A_190 : i32
      %add3A_192 = arith.constant 0 : i32
      %add3A_193 = arith.addi %add3A_191, %add3A_192 : i32
      %dma_wait3A_194 = arith.constant 0 : i32
      %dma_wait3A_195 = tpu.memref_slice %arg5[%add3A_193, %dma_wait3A_194] : memref<212992x128xf32, #tpu.memory_space<hbm>> -> memref<64x128xf32, #tpu.memory_space<hbm>>
      %dma_wait3A_196 = arith.constant 0 : i32
      %dma_wait3A_197 = tpu.memref_slice %arg5[%add3A_193, %dma_wait3A_196] : memref<212992x128xf32, #tpu.memory_space<hbm>> -> memref<64x128xf32, #tpu.memory_space<hbm>>
      tpu.wait_dma2 semaphore(%arg23 : memref<!tpu.dma_semaphore, #tpu.memory_space<semaphore_mem>>) src(%dma_wait3A_197 : memref<64x128xf32, #tpu.memory_space<hbm>>) dst(%arg15 : memref<64x128xf32, #tpu.memory_space<vmem>>)
      %add3A_198 = arith.constant 0 : i32
      %add3A_199 = arith.addi %scan3A_121, %add3A_198 : i32
      %mul3A_200 = arith.constant 2 : i32
      %mul3A_201 = arith.muli %mul3A_200, %add3A_199 : i32
      %add3A_202 = arith.addi %mul3A_201, %arg0 : i32
      %mul3A_203 = arith.constant 8192 : i32
      %mul3A_204 = arith.muli %add3A_202, %mul3A_203 : i32
      %mul3A_205 = arith.constant 512 : i32
      %mul3A_206 = arith.muli %arg1, %mul3A_205 : i32
      %add3A_207 = arith.addi %mul3A_204, %mul3A_206 : i32
      %add3A_208 = arith.constant 0 : i32
      %add3A_209 = arith.addi %add3A_207, %add3A_208 : i32
      %dma_start3A_210 = arith.constant 0 : i32
      %dma_start3A_211 = tpu.memref_slice %arg6[%add3A_209, %dma_start3A_210] : memref<212992x128xf32, #tpu.memory_space<hbm>> -> memref<64x128xf32, #tpu.memory_space<hbm>>
      %dma_start3A_212 = arith.constant 0 : i32
      %dma_start3A_213 = tpu.memref_slice %arg6[%add3A_209, %dma_start3A_212] : memref<212992x128xf32, #tpu.memory_space<hbm>> -> memref<64x128xf32, #tpu.memory_space<hbm>>
      tpu.enqueue_dma source(%arg15 : memref<64x128xf32, #tpu.memory_space<vmem>>) target(%dma_start3A_213 : memref<64x128xf32, #tpu.memory_space<hbm>>) target_semaphore(%arg31 : memref<!tpu.dma_semaphore, #tpu.memory_space<semaphore_mem>>)
      %gt3A = arith.constant 0 : i32
      %gt3A_214 = arith.cmpi sgt, %scan3A_121, %gt3A : i32
      %convert_element_type3A_215 = arith.extui %gt3A_214 : i1 to i32
      %cond3A_216 = arith.constant 0 : i32
      %cond3A_217 = arith.cmpi ne, %convert_element_type3A_215, %cond3A_216 : i32
      scf.if %cond3A_217 {
        %sub3A_605 = arith.constant 1 : i32
        %sub3A_606 = arith.subi %scan3A_121, %sub3A_605 : i32
        %add3A_607 = arith.constant 0 : i32
        %add3A_608 = arith.addi %sub3A_606, %add3A_607 : i32
        %mul3A_609 = arith.constant 2 : i32
        %mul3A_610 = arith.muli %mul3A_609, %add3A_608 : i32
        %add3A_611 = arith.addi %mul3A_610, %arg0 : i32
        %mul3A_612 = arith.constant 8192 : i32
        %mul3A_613 = arith.muli %add3A_611, %mul3A_612 : i32
        %mul3A_614 = arith.constant 512 : i32
        %mul3A_615 = arith.muli %arg1, %mul3A_614 : i32
        %add3A_616 = arith.addi %mul3A_613, %mul3A_615 : i32
        %add3A_617 = arith.constant 256 : i32
        %add3A_618 = arith.addi %add3A_616, %add3A_617 : i32
        %dma_wait3A_619 = arith.constant 0 : i32
        %dma_wait3A_620 = tpu.memref_slice %arg6[%add3A_618, %dma_wait3A_619] : memref<212992x128xf32, #tpu.memory_space<hbm>> -> memref<64x128xf32, #tpu.memory_space<hbm>>
        %dma_wait3A_621 = arith.constant 0 : i32
        %dma_wait3A_622 = tpu.memref_slice %arg6[%add3A_618, %dma_wait3A_621] : memref<212992x128xf32, #tpu.memory_space<hbm>> -> memref<64x128xf32, #tpu.memory_space<hbm>>
        tpu.wait_dma2 semaphore(%arg35 : memref<!tpu.dma_semaphore, #tpu.memory_space<semaphore_mem>>) src(%arg19 : memref<64x128xf32, #tpu.memory_space<vmem>>) dst(%dma_wait3A_622 : memref<64x128xf32, #tpu.memory_space<hbm>>)
      } else {
      }
      %add3A_218 = arith.constant 4 : i32
      %add3A_219 = arith.addi %add3A_181, %add3A_218 : i32
      %lt3A_220 = arith.constant 104 : i32
      %lt3A_221 = arith.cmpi slt, %add3A_219, %lt3A_220 : i32
      %convert_element_type3A_222 = arith.extui %lt3A_221 : i1 to i32
      %cond3A_223 = arith.constant 0 : i32
      %cond3A_224 = arith.cmpi ne, %convert_element_type3A_222, %cond3A_223 : i32
      scf.if %cond3A_224 {
        %add3A_605 = arith.constant 0 : i32
        %add3A_606 = arith.addi %scan3A_121, %add3A_605 : i32
        %mul3A_607 = arith.constant 2 : i32
        %mul3A_608 = arith.muli %mul3A_607, %add3A_606 : i32
        %add3A_609 = arith.addi %mul3A_608, %arg0 : i32
        %mul3A_610 = arith.constant 8192 : i32
        %mul3A_611 = arith.muli %add3A_609, %mul3A_610 : i32
        %mul3A_612 = arith.constant 512 : i32
        %mul3A_613 = arith.muli %arg1, %mul3A_612 : i32
        %add3A_614 = arith.addi %mul3A_611, %mul3A_613 : i32
        %add3A_615 = arith.constant 256 : i32
        %add3A_616 = arith.addi %add3A_614, %add3A_615 : i32
        %dma_start3A_617 = arith.constant 0 : i32
        %dma_start3A_618 = tpu.memref_slice %arg5[%add3A_616, %dma_start3A_617] : memref<212992x128xf32, #tpu.memory_space<hbm>> -> memref<64x128xf32, #tpu.memory_space<hbm>>
        %dma_start3A_619 = arith.constant 0 : i32
        %dma_start3A_620 = tpu.memref_slice %arg5[%add3A_616, %dma_start3A_619] : memref<212992x128xf32, #tpu.memory_space<hbm>> -> memref<64x128xf32, #tpu.memory_space<hbm>>
        tpu.enqueue_dma source(%dma_start3A_620 : memref<64x128xf32, #tpu.memory_space<hbm>>) target(%arg19 : memref<64x128xf32, #tpu.memory_space<vmem>>) target_semaphore(%arg27 : memref<!tpu.dma_semaphore, #tpu.memory_space<semaphore_mem>>)
      } else {
      }
      %mul3A_225 = arith.constant 8 : i32
      %mul3A_226 = arith.muli %scan3A_121, %mul3A_225 : i32
      %add3A_227 = arith.constant 1 : i32
      %add3A_228 = arith.addi %mul3A_226, %add3A_227 : i32
      %add3A_229 = arith.constant 0 : i32
      %add3A_230 = arith.addi %scan3A_121, %add3A_229 : i32
      %mul3A_231 = arith.constant 2 : i32
      %mul3A_232 = arith.muli %mul3A_231, %add3A_230 : i32
      %add3A_233 = arith.addi %mul3A_232, %arg0 : i32
      %mul3A_234 = arith.constant 8192 : i32
      %mul3A_235 = arith.muli %add3A_233, %mul3A_234 : i32
      %mul3A_236 = arith.constant 512 : i32
      %mul3A_237 = arith.muli %arg1, %mul3A_236 : i32
      %add3A_238 = arith.addi %mul3A_235, %mul3A_237 : i32
      %add3A_239 = arith.constant 64 : i32
      %add3A_240 = arith.addi %add3A_238, %add3A_239 : i32
      %dma_wait3A_241 = arith.constant 0 : i32
      %dma_wait3A_242 = tpu.memref_slice %arg5[%add3A_240, %dma_wait3A_241] : memref<212992x128xf32, #tpu.memory_space<hbm>> -> memref<64x128xf32, #tpu.memory_space<hbm>>
      %dma_wait3A_243 = arith.constant 0 : i32
      %dma_wait3A_244 = tpu.memref_slice %arg5[%add3A_240, %dma_wait3A_243] : memref<212992x128xf32, #tpu.memory_space<hbm>> -> memref<64x128xf32, #tpu.memory_space<hbm>>
      tpu.wait_dma2 semaphore(%arg24 : memref<!tpu.dma_semaphore, #tpu.memory_space<semaphore_mem>>) src(%dma_wait3A_244 : memref<64x128xf32, #tpu.memory_space<hbm>>) dst(%arg16 : memref<64x128xf32, #tpu.memory_space<vmem>>)
      %add3A_245 = arith.constant 0 : i32
      %add3A_246 = arith.addi %scan3A_121, %add3A_245 : i32
      %mul3A_247 = arith.constant 2 : i32
      %mul3A_248 = arith.muli %mul3A_247, %add3A_246 : i32
      %add3A_249 = arith.addi %mul3A_248, %arg0 : i32
      %mul3A_250 = arith.constant 8192 : i32
      %mul3A_251 = arith.muli %add3A_249, %mul3A_250 : i32
      %mul3A_252 = arith.constant 512 : i32
      %mul3A_253 = arith.muli %arg1, %mul3A_252 : i32
      %add3A_254 = arith.addi %mul3A_251, %mul3A_253 : i32
      %add3A_255 = arith.constant 64 : i32
      %add3A_256 = arith.addi %add3A_254, %add3A_255 : i32
      %dma_start3A_257 = arith.constant 0 : i32
      %dma_start3A_258 = tpu.memref_slice %arg6[%add3A_256, %dma_start3A_257] : memref<212992x128xf32, #tpu.memory_space<hbm>> -> memref<64x128xf32, #tpu.memory_space<hbm>>
      %dma_start3A_259 = arith.constant 0 : i32
      %dma_start3A_260 = tpu.memref_slice %arg6[%add3A_256, %dma_start3A_259] : memref<212992x128xf32, #tpu.memory_space<hbm>> -> memref<64x128xf32, #tpu.memory_space<hbm>>
      tpu.enqueue_dma source(%arg16 : memref<64x128xf32, #tpu.memory_space<vmem>>) target(%dma_start3A_260 : memref<64x128xf32, #tpu.memory_space<hbm>>) target_semaphore(%arg32 : memref<!tpu.dma_semaphore, #tpu.memory_space<semaphore_mem>>)
      %gt3A_261 = arith.constant 0 : i32
      %gt3A_262 = arith.cmpi sgt, %scan3A_121, %gt3A_261 : i32
      %convert_element_type3A_263 = arith.extui %gt3A_262 : i1 to i32
      %cond3A_264 = arith.constant 0 : i32
      %cond3A_265 = arith.cmpi ne, %convert_element_type3A_263, %cond3A_264 : i32
      scf.if %cond3A_265 {
        %sub3A_605 = arith.constant 1 : i32
        %sub3A_606 = arith.subi %scan3A_121, %sub3A_605 : i32
        %add3A_607 = arith.constant 0 : i32
        %add3A_608 = arith.addi %sub3A_606, %add3A_607 : i32
        %mul3A_609 = arith.constant 2 : i32
        %mul3A_610 = arith.muli %mul3A_609, %add3A_608 : i32
        %add3A_611 = arith.addi %mul3A_610, %arg0 : i32
        %mul3A_612 = arith.constant 8192 : i32
        %mul3A_613 = arith.muli %add3A_611, %mul3A_612 : i32
        %mul3A_614 = arith.constant 512 : i32
        %mul3A_615 = arith.muli %arg1, %mul3A_614 : i32
        %add3A_616 = arith.addi %mul3A_613, %mul3A_615 : i32
        %add3A_617 = arith.constant 320 : i32
        %add3A_618 = arith.addi %add3A_616, %add3A_617 : i32
        %dma_wait3A_619 = arith.constant 0 : i32
        %dma_wait3A_620 = tpu.memref_slice %arg6[%add3A_618, %dma_wait3A_619] : memref<212992x128xf32, #tpu.memory_space<hbm>> -> memref<64x128xf32, #tpu.memory_space<hbm>>
        %dma_wait3A_621 = arith.constant 0 : i32
        %dma_wait3A_622 = tpu.memref_slice %arg6[%add3A_618, %dma_wait3A_621] : memref<212992x128xf32, #tpu.memory_space<hbm>> -> memref<64x128xf32, #tpu.memory_space<hbm>>
        tpu.wait_dma2 semaphore(%arg36 : memref<!tpu.dma_semaphore, #tpu.memory_space<semaphore_mem>>) src(%arg20 : memref<64x128xf32, #tpu.memory_space<vmem>>) dst(%dma_wait3A_622 : memref<64x128xf32, #tpu.memory_space<hbm>>)
      } else {
      }
      %add3A_266 = arith.constant 4 : i32
      %add3A_267 = arith.addi %add3A_228, %add3A_266 : i32
      %lt3A_268 = arith.constant 104 : i32
      %lt3A_269 = arith.cmpi slt, %add3A_267, %lt3A_268 : i32
      %convert_element_type3A_270 = arith.extui %lt3A_269 : i1 to i32
      %cond3A_271 = arith.constant 0 : i32
      %cond3A_272 = arith.cmpi ne, %convert_element_type3A_270, %cond3A_271 : i32
      scf.if %cond3A_272 {
        %add3A_605 = arith.constant 0 : i32
        %add3A_606 = arith.addi %scan3A_121, %add3A_605 : i32
        %mul3A_607 = arith.constant 2 : i32
        %mul3A_608 = arith.muli %mul3A_607, %add3A_606 : i32
        %add3A_609 = arith.addi %mul3A_608, %arg0 : i32
        %mul3A_610 = arith.constant 8192 : i32
        %mul3A_611 = arith.muli %add3A_609, %mul3A_610 : i32
        %mul3A_612 = arith.constant 512 : i32
        %mul3A_613 = arith.muli %arg1, %mul3A_612 : i32
        %add3A_614 = arith.addi %mul3A_611, %mul3A_613 : i32
        %add3A_615 = arith.constant 320 : i32
        %add3A_616 = arith.addi %add3A_614, %add3A_615 : i32
        %dma_start3A_617 = arith.constant 0 : i32
        %dma_start3A_618 = tpu.memref_slice %arg5[%add3A_616, %dma_start3A_617] : memref<212992x128xf32, #tpu.memory_space<hbm>> -> memref<64x128xf32, #tpu.memory_space<hbm>>
        %dma_start3A_619 = arith.constant 0 : i32
        %dma_start3A_620 = tpu.memref_slice %arg5[%add3A_616, %dma_start3A_619] : memref<212992x128xf32, #tpu.memory_space<hbm>> -> memref<64x128xf32, #tpu.memory_space<hbm>>
        tpu.enqueue_dma source(%dma_start3A_620 : memref<64x128xf32, #tpu.memory_space<hbm>>) target(%arg20 : memref<64x128xf32, #tpu.memory_space<vmem>>) target_semaphore(%arg28 : memref<!tpu.dma_semaphore, #tpu.memory_space<semaphore_mem>>)
      } else {
      }
      %mul3A_273 = arith.constant 8 : i32
      %mul3A_274 = arith.muli %scan3A_121, %mul3A_273 : i32
      %add3A_275 = arith.constant 2 : i32
      %add3A_276 = arith.addi %mul3A_274, %add3A_275 : i32
      %add3A_277 = arith.constant 0 : i32
      %add3A_278 = arith.addi %scan3A_121, %add3A_277 : i32
      %mul3A_279 = arith.constant 2 : i32
      %mul3A_280 = arith.muli %mul3A_279, %add3A_278 : i32
      %add3A_281 = arith.addi %mul3A_280, %arg0 : i32
      %mul3A_282 = arith.constant 8192 : i32
      %mul3A_283 = arith.muli %add3A_281, %mul3A_282 : i32
      %mul3A_284 = arith.constant 512 : i32
      %mul3A_285 = arith.muli %arg1, %mul3A_284 : i32
      %add3A_286 = arith.addi %mul3A_283, %mul3A_285 : i32
      %add3A_287 = arith.constant 128 : i32
      %add3A_288 = arith.addi %add3A_286, %add3A_287 : i32
      %dma_wait3A_289 = arith.constant 0 : i32
      %dma_wait3A_290 = tpu.memref_slice %arg5[%add3A_288, %dma_wait3A_289] : memref<212992x128xf32, #tpu.memory_space<hbm>> -> memref<64x128xf32, #tpu.memory_space<hbm>>
      %dma_wait3A_291 = arith.constant 0 : i32
      %dma_wait3A_292 = tpu.memref_slice %arg5[%add3A_288, %dma_wait3A_291] : memref<212992x128xf32, #tpu.memory_space<hbm>> -> memref<64x128xf32, #tpu.memory_space<hbm>>
      tpu.wait_dma2 semaphore(%arg25 : memref<!tpu.dma_semaphore, #tpu.memory_space<semaphore_mem>>) src(%dma_wait3A_292 : memref<64x128xf32, #tpu.memory_space<hbm>>) dst(%arg17 : memref<64x128xf32, #tpu.memory_space<vmem>>)
      %add3A_293 = arith.constant 0 : i32
      %add3A_294 = arith.addi %scan3A_121, %add3A_293 : i32
      %mul3A_295 = arith.constant 2 : i32
      %mul3A_296 = arith.muli %mul3A_295, %add3A_294 : i32
      %add3A_297 = arith.addi %mul3A_296, %arg0 : i32
      %mul3A_298 = arith.constant 8192 : i32
      %mul3A_299 = arith.muli %add3A_297, %mul3A_298 : i32
      %mul3A_300 = arith.constant 512 : i32
      %mul3A_301 = arith.muli %arg1, %mul3A_300 : i32
      %add3A_302 = arith.addi %mul3A_299, %mul3A_301 : i32
      %add3A_303 = arith.constant 128 : i32
      %add3A_304 = arith.addi %add3A_302, %add3A_303 : i32
      %dma_start3A_305 = arith.constant 0 : i32
      %dma_start3A_306 = tpu.memref_slice %arg6[%add3A_304, %dma_start3A_305] : memref<212992x128xf32, #tpu.memory_space<hbm>> -> memref<64x128xf32, #tpu.memory_space<hbm>>
      %dma_start3A_307 = arith.constant 0 : i32
      %dma_start3A_308 = tpu.memref_slice %arg6[%add3A_304, %dma_start3A_307] : memref<212992x128xf32, #tpu.memory_space<hbm>> -> memref<64x128xf32, #tpu.memory_space<hbm>>
      tpu.enqueue_dma source(%arg17 : memref<64x128xf32, #tpu.memory_space<vmem>>) target(%dma_start3A_308 : memref<64x128xf32, #tpu.memory_space<hbm>>) target_semaphore(%arg33 : memref<!tpu.dma_semaphore, #tpu.memory_space<semaphore_mem>>)
      %gt3A_309 = arith.constant 0 : i32
      %gt3A_310 = arith.cmpi sgt, %scan3A_121, %gt3A_309 : i32
      %convert_element_type3A_311 = arith.extui %gt3A_310 : i1 to i32
      %cond3A_312 = arith.constant 0 : i32
      %cond3A_313 = arith.cmpi ne, %convert_element_type3A_311, %cond3A_312 : i32
      scf.if %cond3A_313 {
        %sub3A_605 = arith.constant 1 : i32
        %sub3A_606 = arith.subi %scan3A_121, %sub3A_605 : i32
        %add3A_607 = arith.constant 0 : i32
        %add3A_608 = arith.addi %sub3A_606, %add3A_607 : i32
        %mul3A_609 = arith.constant 2 : i32
        %mul3A_610 = arith.muli %mul3A_609, %add3A_608 : i32
        %add3A_611 = arith.addi %mul3A_610, %arg0 : i32
        %mul3A_612 = arith.constant 8192 : i32
        %mul3A_613 = arith.muli %add3A_611, %mul3A_612 : i32
        %mul3A_614 = arith.constant 512 : i32
        %mul3A_615 = arith.muli %arg1, %mul3A_614 : i32
        %add3A_616 = arith.addi %mul3A_613, %mul3A_615 : i32
        %add3A_617 = arith.constant 384 : i32
        %add3A_618 = arith.addi %add3A_616, %add3A_617 : i32
        %dma_wait3A_619 = arith.constant 0 : i32
        %dma_wait3A_620 = tpu.memref_slice %arg6[%add3A_618, %dma_wait3A_619] : memref<212992x128xf32, #tpu.memory_space<hbm>> -> memref<64x128xf32, #tpu.memory_space<hbm>>
        %dma_wait3A_621 = arith.constant 0 : i32
        %dma_wait3A_622 = tpu.memref_slice %arg6[%add3A_618, %dma_wait3A_621] : memref<212992x128xf32, #tpu.memory_space<hbm>> -> memref<64x128xf32, #tpu.memory_space<hbm>>
        tpu.wait_dma2 semaphore(%arg37 : memref<!tpu.dma_semaphore, #tpu.memory_space<semaphore_mem>>) src(%arg21 : memref<64x128xf32, #tpu.memory_space<vmem>>) dst(%dma_wait3A_622 : memref<64x128xf32, #tpu.memory_space<hbm>>)
      } else {
      }
      %add3A_314 = arith.constant 4 : i32
      %add3A_315 = arith.addi %add3A_276, %add3A_314 : i32
      %lt3A_316 = arith.constant 104 : i32
      %lt3A_317 = arith.cmpi slt, %add3A_315, %lt3A_316 : i32
      %convert_element_type3A_318 = arith.extui %lt3A_317 : i1 to i32
      %cond3A_319 = arith.constant 0 : i32
      %cond3A_320 = arith.cmpi ne, %convert_element_type3A_318, %cond3A_319 : i32
      scf.if %cond3A_320 {
        %add3A_605 = arith.constant 0 : i32
        %add3A_606 = arith.addi %scan3A_121, %add3A_605 : i32
        %mul3A_607 = arith.constant 2 : i32
        %mul3A_608 = arith.muli %mul3A_607, %add3A_606 : i32
        %add3A_609 = arith.addi %mul3A_608, %arg0 : i32
        %mul3A_610 = arith.constant 8192 : i32
        %mul3A_611 = arith.muli %add3A_609, %mul3A_610 : i32
        %mul3A_612 = arith.constant 512 : i32
        %mul3A_613 = arith.muli %arg1, %mul3A_612 : i32
        %add3A_614 = arith.addi %mul3A_611, %mul3A_613 : i32
        %add3A_615 = arith.constant 384 : i32
        %add3A_616 = arith.addi %add3A_614, %add3A_615 : i32
        %dma_start3A_617 = arith.constant 0 : i32
        %dma_start3A_618 = tpu.memref_slice %arg5[%add3A_616, %dma_start3A_617] : memref<212992x128xf32, #tpu.memory_space<hbm>> -> memref<64x128xf32, #tpu.memory_space<hbm>>
        %dma_start3A_619 = arith.constant 0 : i32
        %dma_start3A_620 = tpu.memref_slice %arg5[%add3A_616, %dma_start3A_619] : memref<212992x128xf32, #tpu.memory_space<hbm>> -> memref<64x128xf32, #tpu.memory_space<hbm>>
        tpu.enqueue_dma source(%dma_start3A_620 : memref<64x128xf32, #tpu.memory_space<hbm>>) target(%arg21 : memref<64x128xf32, #tpu.memory_space<vmem>>) target_semaphore(%arg29 : memref<!tpu.dma_semaphore, #tpu.memory_space<semaphore_mem>>)
      } else {
      }
      %mul3A_321 = arith.constant 8 : i32
      %mul3A_322 = arith.muli %scan3A_121, %mul3A_321 : i32
      %add3A_323 = arith.constant 3 : i32
      %add3A_324 = arith.addi %mul3A_322, %add3A_323 : i32
      %add3A_325 = arith.constant 0 : i32
      %add3A_326 = arith.addi %scan3A_121, %add3A_325 : i32
      %mul3A_327 = arith.constant 2 : i32
      %mul3A_328 = arith.muli %mul3A_327, %add3A_326 : i32
      %add3A_329 = arith.addi %mul3A_328, %arg0 : i32
      %mul3A_330 = arith.constant 8192 : i32
      %mul3A_331 = arith.muli %add3A_329, %mul3A_330 : i32
      %mul3A_332 = arith.constant 512 : i32
      %mul3A_333 = arith.muli %arg1, %mul3A_332 : i32
      %add3A_334 = arith.addi %mul3A_331, %mul3A_333 : i32
      %add3A_335 = arith.constant 192 : i32
      %add3A_336 = arith.addi %add3A_334, %add3A_335 : i32
      %dma_wait3A_337 = arith.constant 0 : i32
      %dma_wait3A_338 = tpu.memref_slice %arg5[%add3A_336, %dma_wait3A_337] : memref<212992x128xf32, #tpu.memory_space<hbm>> -> memref<64x128xf32, #tpu.memory_space<hbm>>
      %dma_wait3A_339 = arith.constant 0 : i32
      %dma_wait3A_340 = tpu.memref_slice %arg5[%add3A_336, %dma_wait3A_339] : memref<212992x128xf32, #tpu.memory_space<hbm>> -> memref<64x128xf32, #tpu.memory_space<hbm>>
      tpu.wait_dma2 semaphore(%arg26 : memref<!tpu.dma_semaphore, #tpu.memory_space<semaphore_mem>>) src(%dma_wait3A_340 : memref<64x128xf32, #tpu.memory_space<hbm>>) dst(%arg18 : memref<64x128xf32, #tpu.memory_space<vmem>>)
      %add3A_341 = arith.constant 0 : i32
      %add3A_342 = arith.addi %scan3A_121, %add3A_341 : i32
      %mul3A_343 = arith.constant 2 : i32
      %mul3A_344 = arith.muli %mul3A_343, %add3A_342 : i32
      %add3A_345 = arith.addi %mul3A_344, %arg0 : i32
      %mul3A_346 = arith.constant 8192 : i32
      %mul3A_347 = arith.muli %add3A_345, %mul3A_346 : i32
      %mul3A_348 = arith.constant 512 : i32
      %mul3A_349 = arith.muli %arg1, %mul3A_348 : i32
      %add3A_350 = arith.addi %mul3A_347, %mul3A_349 : i32
      %add3A_351 = arith.constant 192 : i32
      %add3A_352 = arith.addi %add3A_350, %add3A_351 : i32
      %dma_start3A_353 = arith.constant 0 : i32
      %dma_start3A_354 = tpu.memref_slice %arg6[%add3A_352, %dma_start3A_353] : memref<212992x128xf32, #tpu.memory_space<hbm>> -> memref<64x128xf32, #tpu.memory_space<hbm>>
      %dma_start3A_355 = arith.constant 0 : i32
      %dma_start3A_356 = tpu.memref_slice %arg6[%add3A_352, %dma_start3A_355] : memref<212992x128xf32, #tpu.memory_space<hbm>> -> memref<64x128xf32, #tpu.memory_space<hbm>>
      tpu.enqueue_dma source(%arg18 : memref<64x128xf32, #tpu.memory_space<vmem>>) target(%dma_start3A_356 : memref<64x128xf32, #tpu.memory_space<hbm>>) target_semaphore(%arg34 : memref<!tpu.dma_semaphore, #tpu.memory_space<semaphore_mem>>)
      %gt3A_357 = arith.constant 0 : i32
      %gt3A_358 = arith.cmpi sgt, %scan3A_121, %gt3A_357 : i32
      %convert_element_type3A_359 = arith.extui %gt3A_358 : i1 to i32
      %cond3A_360 = arith.constant 0 : i32
      %cond3A_361 = arith.cmpi ne, %convert_element_type3A_359, %cond3A_360 : i32
      scf.if %cond3A_361 {
        %sub3A_605 = arith.constant 1 : i32
        %sub3A_606 = arith.subi %scan3A_121, %sub3A_605 : i32
        %add3A_607 = arith.constant 0 : i32
        %add3A_608 = arith.addi %sub3A_606, %add3A_607 : i32
        %mul3A_609 = arith.constant 2 : i32
        %mul3A_610 = arith.muli %mul3A_609, %add3A_608 : i32
        %add3A_611 = arith.addi %mul3A_610, %arg0 : i32
        %mul3A_612 = arith.constant 8192 : i32
        %mul3A_613 = arith.muli %add3A_611, %mul3A_612 : i32
        %mul3A_614 = arith.constant 512 : i32
        %mul3A_615 = arith.muli %arg1, %mul3A_614 : i32
        %add3A_616 = arith.addi %mul3A_613, %mul3A_615 : i32
        %add3A_617 = arith.constant 448 : i32
        %add3A_618 = arith.addi %add3A_616, %add3A_617 : i32
        %dma_wait3A_619 = arith.constant 0 : i32
        %dma_wait3A_620 = tpu.memref_slice %arg6[%add3A_618, %dma_wait3A_619] : memref<212992x128xf32, #tpu.memory_space<hbm>> -> memref<64x128xf32, #tpu.memory_space<hbm>>
        %dma_wait3A_621 = arith.constant 0 : i32
        %dma_wait3A_622 = tpu.memref_slice %arg6[%add3A_618, %dma_wait3A_621] : memref<212992x128xf32, #tpu.memory_space<hbm>> -> memref<64x128xf32, #tpu.memory_space<hbm>>
        tpu.wait_dma2 semaphore(%arg38 : memref<!tpu.dma_semaphore, #tpu.memory_space<semaphore_mem>>) src(%arg22 : memref<64x128xf32, #tpu.memory_space<vmem>>) dst(%dma_wait3A_622 : memref<64x128xf32, #tpu.memory_space<hbm>>)
      } else {
      }
      %add3A_362 = arith.constant 4 : i32
      %add3A_363 = arith.addi %add3A_324, %add3A_362 : i32
      %lt3A_364 = arith.constant 104 : i32
      %lt3A_365 = arith.cmpi slt, %add3A_363, %lt3A_364 : i32
      %convert_element_type3A_366 = arith.extui %lt3A_365 : i1 to i32
      %cond3A_367 = arith.constant 0 : i32
      %cond3A_368 = arith.cmpi ne, %convert_element_type3A_366, %cond3A_367 : i32
      scf.if %cond3A_368 {
        %add3A_605 = arith.constant 0 : i32
        %add3A_606 = arith.addi %scan3A_121, %add3A_605 : i32
        %mul3A_607 = arith.constant 2 : i32
        %mul3A_608 = arith.muli %mul3A_607, %add3A_606 : i32
        %add3A_609 = arith.addi %mul3A_608, %arg0 : i32
        %mul3A_610 = arith.constant 8192 : i32
        %mul3A_611 = arith.muli %add3A_609, %mul3A_610 : i32
        %mul3A_612 = arith.constant 512 : i32
        %mul3A_613 = arith.muli %arg1, %mul3A_612 : i32
        %add3A_614 = arith.addi %mul3A_611, %mul3A_613 : i32
        %add3A_615 = arith.constant 448 : i32
        %add3A_616 = arith.addi %add3A_614, %add3A_615 : i32
        %dma_start3A_617 = arith.constant 0 : i32
        %dma_start3A_618 = tpu.memref_slice %arg5[%add3A_616, %dma_start3A_617] : memref<212992x128xf32, #tpu.memory_space<hbm>> -> memref<64x128xf32, #tpu.memory_space<hbm>>
        %dma_start3A_619 = arith.constant 0 : i32
        %dma_start3A_620 = tpu.memref_slice %arg5[%add3A_616, %dma_start3A_619] : memref<212992x128xf32, #tpu.memory_space<hbm>> -> memref<64x128xf32, #tpu.memory_space<hbm>>
        tpu.enqueue_dma source(%dma_start3A_620 : memref<64x128xf32, #tpu.memory_space<hbm>>) target(%arg22 : memref<64x128xf32, #tpu.memory_space<vmem>>) target_semaphore(%arg30 : memref<!tpu.dma_semaphore, #tpu.memory_space<semaphore_mem>>)
      } else {
      }
      %mul3A_369 = arith.constant 8 : i32
      %mul3A_370 = arith.muli %scan3A_121, %mul3A_369 : i32
      %add3A_371 = arith.constant 4 : i32
      %add3A_372 = arith.addi %mul3A_370, %add3A_371 : i32
      %add3A_373 = arith.constant 0 : i32
      %add3A_374 = arith.addi %scan3A_121, %add3A_373 : i32
      %mul3A_375 = arith.constant 2 : i32
      %mul3A_376 = arith.muli %mul3A_375, %add3A_374 : i32
      %add3A_377 = arith.addi %mul3A_376, %arg0 : i32
      %mul3A_378 = arith.constant 8192 : i32
      %mul3A_379 = arith.muli %add3A_377, %mul3A_378 : i32
      %mul3A_380 = arith.constant 512 : i32
      %mul3A_381 = arith.muli %arg1, %mul3A_380 : i32
      %add3A_382 = arith.addi %mul3A_379, %mul3A_381 : i32
      %add3A_383 = arith.constant 256 : i32
      %add3A_384 = arith.addi %add3A_382, %add3A_383 : i32
      %dma_wait3A_385 = arith.constant 0 : i32
      %dma_wait3A_386 = tpu.memref_slice %arg5[%add3A_384, %dma_wait3A_385] : memref<212992x128xf32, #tpu.memory_space<hbm>> -> memref<64x128xf32, #tpu.memory_space<hbm>>
      %dma_wait3A_387 = arith.constant 0 : i32
      %dma_wait3A_388 = tpu.memref_slice %arg5[%add3A_384, %dma_wait3A_387] : memref<212992x128xf32, #tpu.memory_space<hbm>> -> memref<64x128xf32, #tpu.memory_space<hbm>>
      tpu.wait_dma2 semaphore(%arg27 : memref<!tpu.dma_semaphore, #tpu.memory_space<semaphore_mem>>) src(%dma_wait3A_388 : memref<64x128xf32, #tpu.memory_space<hbm>>) dst(%arg19 : memref<64x128xf32, #tpu.memory_space<vmem>>)
      %add3A_389 = arith.constant 0 : i32
      %add3A_390 = arith.addi %scan3A_121, %add3A_389 : i32
      %mul3A_391 = arith.constant 2 : i32
      %mul3A_392 = arith.muli %mul3A_391, %add3A_390 : i32
      %add3A_393 = arith.addi %mul3A_392, %arg0 : i32
      %mul3A_394 = arith.constant 8192 : i32
      %mul3A_395 = arith.muli %add3A_393, %mul3A_394 : i32
      %mul3A_396 = arith.constant 512 : i32
      %mul3A_397 = arith.muli %arg1, %mul3A_396 : i32
      %add3A_398 = arith.addi %mul3A_395, %mul3A_397 : i32
      %add3A_399 = arith.constant 256 : i32
      %add3A_400 = arith.addi %add3A_398, %add3A_399 : i32
      %dma_start3A_401 = arith.constant 0 : i32
      %dma_start3A_402 = tpu.memref_slice %arg6[%add3A_400, %dma_start3A_401] : memref<212992x128xf32, #tpu.memory_space<hbm>> -> memref<64x128xf32, #tpu.memory_space<hbm>>
      %dma_start3A_403 = arith.constant 0 : i32
      %dma_start3A_404 = tpu.memref_slice %arg6[%add3A_400, %dma_start3A_403] : memref<212992x128xf32, #tpu.memory_space<hbm>> -> memref<64x128xf32, #tpu.memory_space<hbm>>
      tpu.enqueue_dma source(%arg19 : memref<64x128xf32, #tpu.memory_space<vmem>>) target(%dma_start3A_404 : memref<64x128xf32, #tpu.memory_space<hbm>>) target_semaphore(%arg35 : memref<!tpu.dma_semaphore, #tpu.memory_space<semaphore_mem>>)
      %add3A_405 = arith.constant 0 : i32
      %add3A_406 = arith.addi %scan3A_121, %add3A_405 : i32
      %mul3A_407 = arith.constant 2 : i32
      %mul3A_408 = arith.muli %mul3A_407, %add3A_406 : i32
      %add3A_409 = arith.addi %mul3A_408, %arg0 : i32
      %mul3A_410 = arith.constant 8192 : i32
      %mul3A_411 = arith.muli %add3A_409, %mul3A_410 : i32
      %mul3A_412 = arith.constant 512 : i32
      %mul3A_413 = arith.muli %arg1, %mul3A_412 : i32
      %add3A_414 = arith.addi %mul3A_411, %mul3A_413 : i32
      %add3A_415 = arith.constant 0 : i32
      %add3A_416 = arith.addi %add3A_414, %add3A_415 : i32
      %dma_wait3A_417 = arith.constant 0 : i32
      %dma_wait3A_418 = tpu.memref_slice %arg6[%add3A_416, %dma_wait3A_417] : memref<212992x128xf32, #tpu.memory_space<hbm>> -> memref<64x128xf32, #tpu.memory_space<hbm>>
      %dma_wait3A_419 = arith.constant 0 : i32
      %dma_wait3A_420 = tpu.memref_slice %arg6[%add3A_416, %dma_wait3A_419] : memref<212992x128xf32, #tpu.memory_space<hbm>> -> memref<64x128xf32, #tpu.memory_space<hbm>>
      tpu.wait_dma2 semaphore(%arg31 : memref<!tpu.dma_semaphore, #tpu.memory_space<semaphore_mem>>) src(%arg15 : memref<64x128xf32, #tpu.memory_space<vmem>>) dst(%dma_wait3A_420 : memref<64x128xf32, #tpu.memory_space<hbm>>)
      %add3A_421 = arith.constant 4 : i32
      %add3A_422 = arith.addi %add3A_372, %add3A_421 : i32
      %lt3A_423 = arith.constant 104 : i32
      %lt3A_424 = arith.cmpi slt, %add3A_422, %lt3A_423 : i32
      %convert_element_type3A_425 = arith.extui %lt3A_424 : i1 to i32
      %cond3A_426 = arith.constant 0 : i32
      %cond3A_427 = arith.cmpi ne, %convert_element_type3A_425, %cond3A_426 : i32
      scf.if %cond3A_427 {
        %add3A_605 = arith.constant 1 : i32
        %add3A_606 = arith.addi %scan3A_121, %add3A_605 : i32
        %mul3A_607 = arith.constant 2 : i32
        %mul3A_608 = arith.muli %mul3A_607, %add3A_606 : i32
        %add3A_609 = arith.addi %mul3A_608, %arg0 : i32
        %mul3A_610 = arith.constant 8192 : i32
        %mul3A_611 = arith.muli %add3A_609, %mul3A_610 : i32
        %mul3A_612 = arith.constant 512 : i32
        %mul3A_613 = arith.muli %arg1, %mul3A_612 : i32
        %add3A_614 = arith.addi %mul3A_611, %mul3A_613 : i32
        %add3A_615 = arith.constant 0 : i32
        %add3A_616 = arith.addi %add3A_614, %add3A_615 : i32
        %dma_start3A_617 = arith.constant 0 : i32
        %dma_start3A_618 = tpu.memref_slice %arg5[%add3A_616, %dma_start3A_617] : memref<212992x128xf32, #tpu.memory_space<hbm>> -> memref<64x128xf32, #tpu.memory_space<hbm>>
        %dma_start3A_619 = arith.constant 0 : i32
        %dma_start3A_620 = tpu.memref_slice %arg5[%add3A_616, %dma_start3A_619] : memref<212992x128xf32, #tpu.memory_space<hbm>> -> memref<64x128xf32, #tpu.memory_space<hbm>>
        tpu.enqueue_dma source(%dma_start3A_620 : memref<64x128xf32, #tpu.memory_space<hbm>>) target(%arg15 : memref<64x128xf32, #tpu.memory_space<vmem>>) target_semaphore(%arg23 : memref<!tpu.dma_semaphore, #tpu.memory_space<semaphore_mem>>)
      } else {
      }
      %mul3A_428 = arith.constant 8 : i32
      %mul3A_429 = arith.muli %scan3A_121, %mul3A_428 : i32
      %add3A_430 = arith.constant 5 : i32
      %add3A_431 = arith.addi %mul3A_429, %add3A_430 : i32
      %add3A_432 = arith.constant 0 : i32
      %add3A_433 = arith.addi %scan3A_121, %add3A_432 : i32
      %mul3A_434 = arith.constant 2 : i32
      %mul3A_435 = arith.muli %mul3A_434, %add3A_433 : i32
      %add3A_436 = arith.addi %mul3A_435, %arg0 : i32
      %mul3A_437 = arith.constant 8192 : i32
      %mul3A_438 = arith.muli %add3A_436, %mul3A_437 : i32
      %mul3A_439 = arith.constant 512 : i32
      %mul3A_440 = arith.muli %arg1, %mul3A_439 : i32
      %add3A_441 = arith.addi %mul3A_438, %mul3A_440 : i32
      %add3A_442 = arith.constant 320 : i32
      %add3A_443 = arith.addi %add3A_441, %add3A_442 : i32
      %dma_wait3A_444 = arith.constant 0 : i32
      %dma_wait3A_445 = tpu.memref_slice %arg5[%add3A_443, %dma_wait3A_444] : memref<212992x128xf32, #tpu.memory_space<hbm>> -> memref<64x128xf32, #tpu.memory_space<hbm>>
      %dma_wait3A_446 = arith.constant 0 : i32
      %dma_wait3A_447 = tpu.memref_slice %arg5[%add3A_443, %dma_wait3A_446] : memref<212992x128xf32, #tpu.memory_space<hbm>> -> memref<64x128xf32, #tpu.memory_space<hbm>>
      tpu.wait_dma2 semaphore(%arg28 : memref<!tpu.dma_semaphore, #tpu.memory_space<semaphore_mem>>) src(%dma_wait3A_447 : memref<64x128xf32, #tpu.memory_space<hbm>>) dst(%arg20 : memref<64x128xf32, #tpu.memory_space<vmem>>)
      %add3A_448 = arith.constant 0 : i32
      %add3A_449 = arith.addi %scan3A_121, %add3A_448 : i32
      %mul3A_450 = arith.constant 2 : i32
      %mul3A_451 = arith.muli %mul3A_450, %add3A_449 : i32
      %add3A_452 = arith.addi %mul3A_451, %arg0 : i32
      %mul3A_453 = arith.constant 8192 : i32
      %mul3A_454 = arith.muli %add3A_452, %mul3A_453 : i32
      %mul3A_455 = arith.constant 512 : i32
      %mul3A_456 = arith.muli %arg1, %mul3A_455 : i32
      %add3A_457 = arith.addi %mul3A_454, %mul3A_456 : i32
      %add3A_458 = arith.constant 320 : i32
      %add3A_459 = arith.addi %add3A_457, %add3A_458 : i32
      %dma_start3A_460 = arith.constant 0 : i32
      %dma_start3A_461 = tpu.memref_slice %arg6[%add3A_459, %dma_start3A_460] : memref<212992x128xf32, #tpu.memory_space<hbm>> -> memref<64x128xf32, #tpu.memory_space<hbm>>
      %dma_start3A_462 = arith.constant 0 : i32
      %dma_start3A_463 = tpu.memref_slice %arg6[%add3A_459, %dma_start3A_462] : memref<212992x128xf32, #tpu.memory_space<hbm>> -> memref<64x128xf32, #tpu.memory_space<hbm>>
      tpu.enqueue_dma source(%arg20 : memref<64x128xf32, #tpu.memory_space<vmem>>) target(%dma_start3A_463 : memref<64x128xf32, #tpu.memory_space<hbm>>) target_semaphore(%arg36 : memref<!tpu.dma_semaphore, #tpu.memory_space<semaphore_mem>>)
      %add3A_464 = arith.constant 0 : i32
      %add3A_465 = arith.addi %scan3A_121, %add3A_464 : i32
      %mul3A_466 = arith.constant 2 : i32
      %mul3A_467 = arith.muli %mul3A_466, %add3A_465 : i32
      %add3A_468 = arith.addi %mul3A_467, %arg0 : i32
      %mul3A_469 = arith.constant 8192 : i32
      %mul3A_470 = arith.muli %add3A_468, %mul3A_469 : i32
      %mul3A_471 = arith.constant 512 : i32
      %mul3A_472 = arith.muli %arg1, %mul3A_471 : i32
      %add3A_473 = arith.addi %mul3A_470, %mul3A_472 : i32
      %add3A_474 = arith.constant 64 : i32
      %add3A_475 = arith.addi %add3A_473, %add3A_474 : i32
      %dma_wait3A_476 = arith.constant 0 : i32
      %dma_wait3A_477 = tpu.memref_slice %arg6[%add3A_475, %dma_wait3A_476] : memref<212992x128xf32, #tpu.memory_space<hbm>> -> memref<64x128xf32, #tpu.memory_space<hbm>>
      %dma_wait3A_478 = arith.constant 0 : i32
      %dma_wait3A_479 = tpu.memref_slice %arg6[%add3A_475, %dma_wait3A_478] : memref<212992x128xf32, #tpu.memory_space<hbm>> -> memref<64x128xf32, #tpu.memory_space<hbm>>
      tpu.wait_dma2 semaphore(%arg32 : memref<!tpu.dma_semaphore, #tpu.memory_space<semaphore_mem>>) src(%arg16 : memref<64x128xf32, #tpu.memory_space<vmem>>) dst(%dma_wait3A_479 : memref<64x128xf32, #tpu.memory_space<hbm>>)
      %add3A_480 = arith.constant 4 : i32
      %add3A_481 = arith.addi %add3A_431, %add3A_480 : i32
      %lt3A_482 = arith.constant 104 : i32
      %lt3A_483 = arith.cmpi slt, %add3A_481, %lt3A_482 : i32
      %convert_element_type3A_484 = arith.extui %lt3A_483 : i1 to i32
      %cond3A_485 = arith.constant 0 : i32
      %cond3A_486 = arith.cmpi ne, %convert_element_type3A_484, %cond3A_485 : i32
      scf.if %cond3A_486 {
        %add3A_605 = arith.constant 1 : i32
        %add3A_606 = arith.addi %scan3A_121, %add3A_605 : i32
        %mul3A_607 = arith.constant 2 : i32
        %mul3A_608 = arith.muli %mul3A_607, %add3A_606 : i32
        %add3A_609 = arith.addi %mul3A_608, %arg0 : i32
        %mul3A_610 = arith.constant 8192 : i32
        %mul3A_611 = arith.muli %add3A_609, %mul3A_610 : i32
        %mul3A_612 = arith.constant 512 : i32
        %mul3A_613 = arith.muli %arg1, %mul3A_612 : i32
        %add3A_614 = arith.addi %mul3A_611, %mul3A_613 : i32
        %add3A_615 = arith.constant 64 : i32
        %add3A_616 = arith.addi %add3A_614, %add3A_615 : i32
        %dma_start3A_617 = arith.constant 0 : i32
        %dma_start3A_618 = tpu.memref_slice %arg5[%add3A_616, %dma_start3A_617] : memref<212992x128xf32, #tpu.memory_space<hbm>> -> memref<64x128xf32, #tpu.memory_space<hbm>>
        %dma_start3A_619 = arith.constant 0 : i32
        %dma_start3A_620 = tpu.memref_slice %arg5[%add3A_616, %dma_start3A_619] : memref<212992x128xf32, #tpu.memory_space<hbm>> -> memref<64x128xf32, #tpu.memory_space<hbm>>
        tpu.enqueue_dma source(%dma_start3A_620 : memref<64x128xf32, #tpu.memory_space<hbm>>) target(%arg16 : memref<64x128xf32, #tpu.memory_space<vmem>>) target_semaphore(%arg24 : memref<!tpu.dma_semaphore, #tpu.memory_space<semaphore_mem>>)
      } else {
      }
      %mul3A_487 = arith.constant 8 : i32
      %mul3A_488 = arith.muli %scan3A_121, %mul3A_487 : i32
      %add3A_489 = arith.constant 6 : i32
      %add3A_490 = arith.addi %mul3A_488, %add3A_489 : i32
      %add3A_491 = arith.constant 0 : i32
      %add3A_492 = arith.addi %scan3A_121, %add3A_491 : i32
      %mul3A_493 = arith.constant 2 : i32
      %mul3A_494 = arith.muli %mul3A_493, %add3A_492 : i32
      %add3A_495 = arith.addi %mul3A_494, %arg0 : i32
      %mul3A_496 = arith.constant 8192 : i32
      %mul3A_497 = arith.muli %add3A_495, %mul3A_496 : i32
      %mul3A_498 = arith.constant 512 : i32
      %mul3A_499 = arith.muli %arg1, %mul3A_498 : i32
      %add3A_500 = arith.addi %mul3A_497, %mul3A_499 : i32
      %add3A_501 = arith.constant 384 : i32
      %add3A_502 = arith.addi %add3A_500, %add3A_501 : i32
      %dma_wait3A_503 = arith.constant 0 : i32
      %dma_wait3A_504 = tpu.memref_slice %arg5[%add3A_502, %dma_wait3A_503] : memref<212992x128xf32, #tpu.memory_space<hbm>> -> memref<64x128xf32, #tpu.memory_space<hbm>>
      %dma_wait3A_505 = arith.constant 0 : i32
      %dma_wait3A_506 = tpu.memref_slice %arg5[%add3A_502, %dma_wait3A_505] : memref<212992x128xf32, #tpu.memory_space<hbm>> -> memref<64x128xf32, #tpu.memory_space<hbm>>
      tpu.wait_dma2 semaphore(%arg29 : memref<!tpu.dma_semaphore, #tpu.memory_space<semaphore_mem>>) src(%dma_wait3A_506 : memref<64x128xf32, #tpu.memory_space<hbm>>) dst(%arg21 : memref<64x128xf32, #tpu.memory_space<vmem>>)
      %add3A_507 = arith.constant 0 : i32
      %add3A_508 = arith.addi %scan3A_121, %add3A_507 : i32
      %mul3A_509 = arith.constant 2 : i32
      %mul3A_510 = arith.muli %mul3A_509, %add3A_508 : i32
      %add3A_511 = arith.addi %mul3A_510, %arg0 : i32
      %mul3A_512 = arith.constant 8192 : i32
      %mul3A_513 = arith.muli %add3A_511, %mul3A_512 : i32
      %mul3A_514 = arith.constant 512 : i32
      %mul3A_515 = arith.muli %arg1, %mul3A_514 : i32
      %add3A_516 = arith.addi %mul3A_513, %mul3A_515 : i32
      %add3A_517 = arith.constant 384 : i32
      %add3A_518 = arith.addi %add3A_516, %add3A_517 : i32
      %dma_start3A_519 = arith.constant 0 : i32
      %dma_start3A_520 = tpu.memref_slice %arg6[%add3A_518, %dma_start3A_519] : memref<212992x128xf32, #tpu.memory_space<hbm>> -> memref<64x128xf32, #tpu.memory_space<hbm>>
      %dma_start3A_521 = arith.constant 0 : i32
      %dma_start3A_522 = tpu.memref_slice %arg6[%add3A_518, %dma_start3A_521] : memref<212992x128xf32, #tpu.memory_space<hbm>> -> memref<64x128xf32, #tpu.memory_space<hbm>>
      tpu.enqueue_dma source(%arg21 : memref<64x128xf32, #tpu.memory_space<vmem>>) target(%dma_start3A_522 : memref<64x128xf32, #tpu.memory_space<hbm>>) target_semaphore(%arg37 : memref<!tpu.dma_semaphore, #tpu.memory_space<semaphore_mem>>)
      %add3A_523 = arith.constant 0 : i32
      %add3A_524 = arith.addi %scan3A_121, %add3A_523 : i32
      %mul3A_525 = arith.constant 2 : i32
      %mul3A_526 = arith.muli %mul3A_525, %add3A_524 : i32
      %add3A_527 = arith.addi %mul3A_526, %arg0 : i32
      %mul3A_528 = arith.constant 8192 : i32
      %mul3A_529 = arith.muli %add3A_527, %mul3A_528 : i32
      %mul3A_530 = arith.constant 512 : i32
      %mul3A_531 = arith.muli %arg1, %mul3A_530 : i32
      %add3A_532 = arith.addi %mul3A_529, %mul3A_531 : i32
      %add3A_533 = arith.constant 128 : i32
      %add3A_534 = arith.addi %add3A_532, %add3A_533 : i32
      %dma_wait3A_535 = arith.constant 0 : i32
      %dma_wait3A_536 = tpu.memref_slice %arg6[%add3A_534, %dma_wait3A_535] : memref<212992x128xf32, #tpu.memory_space<hbm>> -> memref<64x128xf32, #tpu.memory_space<hbm>>
      %dma_wait3A_537 = arith.constant 0 : i32
      %dma_wait3A_538 = tpu.memref_slice %arg6[%add3A_534, %dma_wait3A_537] : memref<212992x128xf32, #tpu.memory_space<hbm>> -> memref<64x128xf32, #tpu.memory_space<hbm>>
      tpu.wait_dma2 semaphore(%arg33 : memref<!tpu.dma_semaphore, #tpu.memory_space<semaphore_mem>>) src(%arg17 : memref<64x128xf32, #tpu.memory_space<vmem>>) dst(%dma_wait3A_538 : memref<64x128xf32, #tpu.memory_space<hbm>>)
      %add3A_539 = arith.constant 4 : i32
      %add3A_540 = arith.addi %add3A_490, %add3A_539 : i32
      %lt3A_541 = arith.constant 104 : i32
      %lt3A_542 = arith.cmpi slt, %add3A_540, %lt3A_541 : i32
      %convert_element_type3A_543 = arith.extui %lt3A_542 : i1 to i32
      %cond3A_544 = arith.constant 0 : i32
      %cond3A_545 = arith.cmpi ne, %convert_element_type3A_543, %cond3A_544 : i32
      scf.if %cond3A_545 {
        %add3A_605 = arith.constant 1 : i32
        %add3A_606 = arith.addi %scan3A_121, %add3A_605 : i32
        %mul3A_607 = arith.constant 2 : i32
        %mul3A_608 = arith.muli %mul3A_607, %add3A_606 : i32
        %add3A_609 = arith.addi %mul3A_608, %arg0 : i32
        %mul3A_610 = arith.constant 8192 : i32
        %mul3A_611 = arith.muli %add3A_609, %mul3A_610 : i32
        %mul3A_612 = arith.constant 512 : i32
        %mul3A_613 = arith.muli %arg1, %mul3A_612 : i32
        %add3A_614 = arith.addi %mul3A_611, %mul3A_613 : i32
        %add3A_615 = arith.constant 128 : i32
        %add3A_616 = arith.addi %add3A_614, %add3A_615 : i32
        %dma_start3A_617 = arith.constant 0 : i32
        %dma_start3A_618 = tpu.memref_slice %arg5[%add3A_616, %dma_start3A_617] : memref<212992x128xf32, #tpu.memory_space<hbm>> -> memref<64x128xf32, #tpu.memory_space<hbm>>
        %dma_start3A_619 = arith.constant 0 : i32
        %dma_start3A_620 = tpu.memref_slice %arg5[%add3A_616, %dma_start3A_619] : memref<212992x128xf32, #tpu.memory_space<hbm>> -> memref<64x128xf32, #tpu.memory_space<hbm>>
        tpu.enqueue_dma source(%dma_start3A_620 : memref<64x128xf32, #tpu.memory_space<hbm>>) target(%arg17 : memref<64x128xf32, #tpu.memory_space<vmem>>) target_semaphore(%arg25 : memref<!tpu.dma_semaphore, #tpu.memory_space<semaphore_mem>>)
      } else {
      }
      %mul3A_546 = arith.constant 8 : i32
      %mul3A_547 = arith.muli %scan3A_121, %mul3A_546 : i32
      %add3A_548 = arith.constant 7 : i32
      %add3A_549 = arith.addi %mul3A_547, %add3A_548 : i32
      %add3A_550 = arith.constant 0 : i32
      %add3A_551 = arith.addi %scan3A_121, %add3A_550 : i32
      %mul3A_552 = arith.constant 2 : i32
      %mul3A_553 = arith.muli %mul3A_552, %add3A_551 : i32
      %add3A_554 = arith.addi %mul3A_553, %arg0 : i32
      %mul3A_555 = arith.constant 8192 : i32
      %mul3A_556 = arith.muli %add3A_554, %mul3A_555 : i32
      %mul3A_557 = arith.constant 512 : i32
      %mul3A_558 = arith.muli %arg1, %mul3A_557 : i32
      %add3A_559 = arith.addi %mul3A_556, %mul3A_558 : i32
      %add3A_560 = arith.constant 448 : i32
      %add3A_561 = arith.addi %add3A_559, %add3A_560 : i32
      %dma_wait3A_562 = arith.constant 0 : i32
      %dma_wait3A_563 = tpu.memref_slice %arg5[%add3A_561, %dma_wait3A_562] : memref<212992x128xf32, #tpu.memory_space<hbm>> -> memref<64x128xf32, #tpu.memory_space<hbm>>
      %dma_wait3A_564 = arith.constant 0 : i32
      %dma_wait3A_565 = tpu.memref_slice %arg5[%add3A_561, %dma_wait3A_564] : memref<212992x128xf32, #tpu.memory_space<hbm>> -> memref<64x128xf32, #tpu.memory_space<hbm>>
      tpu.wait_dma2 semaphore(%arg30 : memref<!tpu.dma_semaphore, #tpu.memory_space<semaphore_mem>>) src(%dma_wait3A_565 : memref<64x128xf32, #tpu.memory_space<hbm>>) dst(%arg22 : memref<64x128xf32, #tpu.memory_space<vmem>>)
      %add3A_566 = arith.constant 0 : i32
      %add3A_567 = arith.addi %scan3A_121, %add3A_566 : i32
      %mul3A_568 = arith.constant 2 : i32
      %mul3A_569 = arith.muli %mul3A_568, %add3A_567 : i32
      %add3A_570 = arith.addi %mul3A_569, %arg0 : i32
      %mul3A_571 = arith.constant 8192 : i32
      %mul3A_572 = arith.muli %add3A_570, %mul3A_571 : i32
      %mul3A_573 = arith.constant 512 : i32
      %mul3A_574 = arith.muli %arg1, %mul3A_573 : i32
      %add3A_575 = arith.addi %mul3A_572, %mul3A_574 : i32
      %add3A_576 = arith.constant 448 : i32
      %add3A_577 = arith.addi %add3A_575, %add3A_576 : i32
      %dma_start3A_578 = arith.constant 0 : i32
      %dma_start3A_579 = tpu.memref_slice %arg6[%add3A_577, %dma_start3A_578] : memref<212992x128xf32, #tpu.memory_space<hbm>> -> memref<64x128xf32, #tpu.memory_space<hbm>>
      %dma_start3A_580 = arith.constant 0 : i32
      %dma_start3A_581 = tpu.memref_slice %arg6[%add3A_577, %dma_start3A_580] : memref<212992x128xf32, #tpu.memory_space<hbm>> -> memref<64x128xf32, #tpu.memory_space<hbm>>
      tpu.enqueue_dma source(%arg22 : memref<64x128xf32, #tpu.memory_space<vmem>>) target(%dma_start3A_581 : memref<64x128xf32, #tpu.memory_space<hbm>>) target_semaphore(%arg38 : memref<!tpu.dma_semaphore, #tpu.memory_space<semaphore_mem>>)
      %add3A_582 = arith.constant 0 : i32
      %add3A_583 = arith.addi %scan3A_121, %add3A_582 : i32
      %mul3A_584 = arith.constant 2 : i32
      %mul3A_585 = arith.muli %mul3A_584, %add3A_583 : i32
      %add3A_586 = arith.addi %mul3A_585, %arg0 : i32
      %mul3A_587 = arith.constant 8192 : i32
      %mul3A_588 = arith.muli %add3A_586, %mul3A_587 : i32
      %mul3A_589 = arith.constant 512 : i32
      %mul3A_590 = arith.muli %arg1, %mul3A_589 : i32
      %add3A_591 = arith.addi %mul3A_588, %mul3A_590 : i32
      %add3A_592 = arith.constant 192 : i32
      %add3A_593 = arith.addi %add3A_591, %add3A_592 : i32
      %dma_wait3A_594 = arith.constant 0 : i32
      %dma_wait3A_595 = tpu.memref_slice %arg6[%add3A_593, %dma_wait3A_594] : memref<212992x128xf32, #tpu.memory_space<hbm>> -> memref<64x128xf32, #tpu.memory_space<hbm>>
      %dma_wait3A_596 = arith.constant 0 : i32
      %dma_wait3A_597 = tpu.memref_slice %arg6[%add3A_593, %dma_wait3A_596] : memref<212992x128xf32, #tpu.memory_space<hbm>> -> memref<64x128xf32, #tpu.memory_space<hbm>>
      tpu.wait_dma2 semaphore(%arg34 : memref<!tpu.dma_semaphore, #tpu.memory_space<semaphore_mem>>) src(%arg18 : memref<64x128xf32, #tpu.memory_space<vmem>>) dst(%dma_wait3A_597 : memref<64x128xf32, #tpu.memory_space<hbm>>)
      %add3A_598 = arith.constant 4 : i32
      %add3A_599 = arith.addi %add3A_549, %add3A_598 : i32
      %lt3A_600 = arith.constant 104 : i32
      %lt3A_601 = arith.cmpi slt, %add3A_599, %lt3A_600 : i32
      %convert_element_type3A_602 = arith.extui %lt3A_601 : i1 to i32
      %cond3A_603 = arith.constant 0 : i32
      %cond3A_604 = arith.cmpi ne, %convert_element_type3A_602, %cond3A_603 : i32
      scf.if %cond3A_604 {
        %add3A_605 = arith.constant 1 : i32
        %add3A_606 = arith.addi %scan3A_121, %add3A_605 : i32
        %mul3A_607 = arith.constant 2 : i32
        %mul3A_608 = arith.muli %mul3A_607, %add3A_606 : i32
        %add3A_609 = arith.addi %mul3A_608, %arg0 : i32
        %mul3A_610 = arith.constant 8192 : i32
        %mul3A_611 = arith.muli %add3A_609, %mul3A_610 : i32
        %mul3A_612 = arith.constant 512 : i32
        %mul3A_613 = arith.muli %arg1, %mul3A_612 : i32
        %add3A_614 = arith.addi %mul3A_611, %mul3A_613 : i32
        %add3A_615 = arith.constant 192 : i32
        %add3A_616 = arith.addi %add3A_614, %add3A_615 : i32
        %dma_start3A_617 = arith.constant 0 : i32
        %dma_start3A_618 = tpu.memref_slice %arg5[%add3A_616, %dma_start3A_617] : memref<212992x128xf32, #tpu.memory_space<hbm>> -> memref<64x128xf32, #tpu.memory_space<hbm>>
        %dma_start3A_619 = arith.constant 0 : i32
        %dma_start3A_620 = tpu.memref_slice %arg5[%add3A_616, %dma_start3A_619] : memref<212992x128xf32, #tpu.memory_space<hbm>> -> memref<64x128xf32, #tpu.memory_space<hbm>>
        tpu.enqueue_dma source(%dma_start3A_620 : memref<64x128xf32, #tpu.memory_space<hbm>>) target(%arg18 : memref<64x128xf32, #tpu.memory_space<vmem>>) target_semaphore(%arg26 : memref<!tpu.dma_semaphore, #tpu.memory_space<semaphore_mem>>)
      } else {
      }
      scf.yield %while3A_177 : i32
    }
    %scan3A_59 = arith.constant 13 : i32
    %add3A_60 = arith.constant 24 : i32
    %add3A_61 = arith.addi %add3A_60, %arg0 : i32
    %mul3A_62 = arith.constant 8192 : i32
    %mul3A_63 = arith.muli %add3A_61, %mul3A_62 : i32
    %mul3A_64 = arith.constant 512 : i32
    %mul3A_65 = arith.muli %arg1, %mul3A_64 : i32
    %add3A_66 = arith.addi %mul3A_63, %mul3A_65 : i32
    %add3A_67 = arith.constant 256 : i32
    %add3A_68 = arith.addi %add3A_66, %add3A_67 : i32
    %dma_wait3A = arith.constant 0 : i32
    %dma_wait3A_69 = tpu.memref_slice %arg6[%add3A_68, %dma_wait3A] : memref<212992x128xf32, #tpu.memory_space<hbm>> -> memref<64x128xf32, #tpu.memory_space<hbm>>
    %dma_wait3A_70 = arith.constant 0 : i32
    %dma_wait3A_71 = tpu.memref_slice %arg6[%add3A_68, %dma_wait3A_70] : memref<212992x128xf32, #tpu.memory_space<hbm>> -> memref<64x128xf32, #tpu.memory_space<hbm>>
    tpu.wait_dma2 semaphore(%arg35 : memref<!tpu.dma_semaphore, #tpu.memory_space<semaphore_mem>>) src(%arg19 : memref<64x128xf32, #tpu.memory_space<vmem>>) dst(%dma_wait3A_71 : memref<64x128xf32, #tpu.memory_space<hbm>>)
    %add3A_72 = arith.constant 24 : i32
    %add3A_73 = arith.addi %add3A_72, %arg0 : i32
    %mul3A_74 = arith.constant 8192 : i32
    %mul3A_75 = arith.muli %add3A_73, %mul3A_74 : i32
    %mul3A_76 = arith.constant 512 : i32
    %mul3A_77 = arith.muli %arg1, %mul3A_76 : i32
    %add3A_78 = arith.addi %mul3A_75, %mul3A_77 : i32
    %add3A_79 = arith.constant 320 : i32
    %add3A_80 = arith.addi %add3A_78, %add3A_79 : i32
    %dma_wait3A_81 = arith.constant 0 : i32
    %dma_wait3A_82 = tpu.memref_slice %arg6[%add3A_80, %dma_wait3A_81] : memref<212992x128xf32, #tpu.memory_space<hbm>> -> memref<64x128xf32, #tpu.memory_space<hbm>>
    %dma_wait3A_83 = arith.constant 0 : i32
    %dma_wait3A_84 = tpu.memref_slice %arg6[%add3A_80, %dma_wait3A_83] : memref<212992x128xf32, #tpu.memory_space<hbm>> -> memref<64x128xf32, #tpu.memory_space<hbm>>
    tpu.wait_dma2 semaphore(%arg36 : memref<!tpu.dma_semaphore, #tpu.memory_space<semaphore_mem>>) src(%arg20 : memref<64x128xf32, #tpu.memory_space<vmem>>) dst(%dma_wait3A_84 : memref<64x128xf32, #tpu.memory_space<hbm>>)
    %add3A_85 = arith.constant 24 : i32
    %add3A_86 = arith.addi %add3A_85, %arg0 : i32
    %mul3A_87 = arith.constant 8192 : i32
    %mul3A_88 = arith.muli %add3A_86, %mul3A_87 : i32
    %mul3A_89 = arith.constant 512 : i32
    %mul3A_90 = arith.muli %arg1, %mul3A_89 : i32
    %add3A_91 = arith.addi %mul3A_88, %mul3A_90 : i32
    %add3A_92 = arith.constant 384 : i32
    %add3A_93 = arith.addi %add3A_91, %add3A_92 : i32
    %dma_wait3A_94 = arith.constant 0 : i32
    %dma_wait3A_95 = tpu.memref_slice %arg6[%add3A_93, %dma_wait3A_94] : memref<212992x128xf32, #tpu.memory_space<hbm>> -> memref<64x128xf32, #tpu.memory_space<hbm>>
    %dma_wait3A_96 = arith.constant 0 : i32
    %dma_wait3A_97 = tpu.memref_slice %arg6[%add3A_93, %dma_wait3A_96] : memref<212992x128xf32, #tpu.memory_space<hbm>> -> memref<64x128xf32, #tpu.memory_space<hbm>>
    tpu.wait_dma2 semaphore(%arg37 : memref<!tpu.dma_semaphore, #tpu.memory_space<semaphore_mem>>) src(%arg21 : memref<64x128xf32, #tpu.memory_space<vmem>>) dst(%dma_wait3A_97 : memref<64x128xf32, #tpu.memory_space<hbm>>)
    %add3A_98 = arith.constant 24 : i32
    %add3A_99 = arith.addi %add3A_98, %arg0 : i32
    %mul3A_100 = arith.constant 8192 : i32
    %mul3A_101 = arith.muli %add3A_99, %mul3A_100 : i32
    %mul3A_102 = arith.constant 512 : i32
    %mul3A_103 = arith.muli %arg1, %mul3A_102 : i32
    %add3A_104 = arith.addi %mul3A_101, %mul3A_103 : i32
    %add3A_105 = arith.constant 448 : i32
    %add3A_106 = arith.addi %add3A_104, %add3A_105 : i32
    %dma_wait3A_107 = arith.constant 0 : i32
    %dma_wait3A_108 = tpu.memref_slice %arg6[%add3A_106, %dma_wait3A_107] : memref<212992x128xf32, #tpu.memory_space<hbm>> -> memref<64x128xf32, #tpu.memory_space<hbm>>
    %dma_wait3A_109 = arith.constant 0 : i32
    %dma_wait3A_110 = tpu.memref_slice %arg6[%add3A_106, %dma_wait3A_109] : memref<212992x128xf32, #tpu.memory_space<hbm>> -> memref<64x128xf32, #tpu.memory_space<hbm>>
    tpu.wait_dma2 semaphore(%arg38 : memref<!tpu.dma_semaphore, #tpu.memory_space<semaphore_mem>>) src(%arg22 : memref<64x128xf32, #tpu.memory_space<vmem>>) dst(%dma_wait3A_110 : memref<64x128xf32, #tpu.memory_space<hbm>>)
    %broadcast_in_dim3A_111 = vector.broadcast %scan3A_58 : i32 to vector<16xi32>
    %swap3A = arith.constant 0 : index
    %swap3A_112 = tpu.vector_load %arg14[%swap3A] {strides = array<i32>} : memref<16xi32, #tpu.memory_space<vmem>>, vector<16xi32>,
    tpu.vector_store %arg14[%swap3A], %broadcast_in_dim3A_111 {strides = array<i32>} : memref<16xi32, #tpu.memory_space<vmem>>, vector<16xi32>,
    %get3A = arith.constant 0 : index
    %get3A_113 = tpu.vector_load %arg14[%get3A] {strides = array<i32>} : memref<16xi32, #tpu.memory_space<vmem>>, vector<16xi32>,
    %slice3A = vector.extract_strided_slice %get3A_113 {offsets = [0], sizes = [1], strides = [1]} : vector<16xi32> to vector<1xi32>
    %squeeze3A = vector.extract %slice3A[0] : i32 from vector<1xi32>
    %lt3A = arith.constant 26 : i32
    %lt3A_114 = arith.cmpi slt, %add3A, %lt3A : i32
    %convert_element_type3A = arith.extui %lt3A_114 : i1 to i32
    %cond3A = arith.constant 0 : i32
    %cond3A_115 = arith.cmpi ne, %convert_element_type3A, %cond3A : i32
    scf.if %cond3A_115 {
      %add3A_121 = vector.broadcast %squeeze3A : i32 to vector<16xi32>
      %add3A_122 = arith.addi %gather3A, %add3A_121 : vector<16xi32>
      %and3A = arith.constant 8191 : i32
      %and3A_123 = vector.broadcast %and3A : i32 to vector<16xi32>
      %and3A_124 = arith.andi %add3A_122, %and3A_123 : vector<16xi32>
      %swap3A_125 = arith.constant 0 : index
      %swap3A_126 = tpu.vector_load %arg13[%swap3A_125] {strides = array<i32>} : memref<16xi32, #tpu.memory_space<vmem>>, vector<16xi32>,
      tpu.vector_store %arg13[%swap3A_125], %and3A_124 {strides = array<i32>} : memref<16xi32, #tpu.memory_space<vmem>>, vector<16xi32>,
      "tpu.region"() ({
        %run_scoped3A = tpu.sem_alloc : memref<!tpu.dma_semaphore, #tpu.memory_space<semaphore_mem>>
        %dma_start3A_127 = arith.constant 0 : i32
        %dma_start3A_128 = tpu.memref_slice %arg7[%add3A, %dma_start3A_127] : memref<26x16xi32, #tpu.memory_space<hbm>> -> memref<1x16xi32, #tpu.memory_space<hbm>>
        %dma_start3A_129 = tpu.memref_squeeze %dma_start3A_128 : memref<1x16xi32, #tpu.memory_space<hbm>> -> memref<16xi32, #tpu.memory_space<hbm>>
        %dma_start3A_130 = arith.constant 0 : i32
        %dma_start3A_131 = tpu.memref_slice %arg7[%add3A, %dma_start3A_130] : memref<26x16xi32, #tpu.memory_space<hbm>> -> memref<1x16xi32, #tpu.memory_space<hbm>>
        %dma_start3A_132 = tpu.memref_squeeze %dma_start3A_131 : memref<1x16xi32, #tpu.memory_space<hbm>> -> memref<16xi32, #tpu.memory_space<hbm>>
        tpu.enqueue_dma source(%arg13 : memref<16xi32, #tpu.memory_space<vmem>>) target(%dma_start3A_132 : memref<16xi32, #tpu.memory_space<hbm>>) target_semaphore(%run_scoped3A : memref<!tpu.dma_semaphore, #tpu.memory_space<semaphore_mem>>)
        %dma_wait3A_133 = arith.constant 0 : i32
        %dma_wait3A_134 = tpu.memref_slice %arg7[%add3A, %dma_wait3A_133] : memref<26x16xi32, #tpu.memory_space<hbm>> -> memref<1x16xi32, #tpu.memory_space<hbm>>
        %dma_wait3A_135 = tpu.memref_squeeze %dma_wait3A_134 : memref<1x16xi32, #tpu.memory_space<hbm>> -> memref<16xi32, #tpu.memory_space<hbm>>
        %dma_wait3A_136 = arith.constant 0 : i32
        %dma_wait3A_137 = tpu.memref_slice %arg7[%add3A, %dma_wait3A_136] : memref<26x16xi32, #tpu.memory_space<hbm>> -> memref<1x16xi32, #tpu.memory_space<hbm>>
        %dma_wait3A_138 = tpu.memref_squeeze %dma_wait3A_137 : memref<1x16xi32, #tpu.memory_space<hbm>> -> memref<16xi32, #tpu.memory_space<hbm>>
        tpu.wait_dma2 semaphore(%run_scoped3A : memref<!tpu.dma_semaphore, #tpu.memory_space<semaphore_mem>>) src(%arg13 : memref<16xi32, #tpu.memory_space<vmem>>) dst(%dma_wait3A_138 : memref<16xi32, #tpu.memory_space<hbm>>)
        tpu.yield
      }) : () -> ()
    } else {
    }
    %barrier3A = arith.constant 0 : index
    tpu.barrier barrier_id(%barrier3A)
    %lt3A_116 = arith.constant 26 : i32
    %lt3A_117 = arith.cmpi slt, %add3A, %lt3A_116 : i32
    %convert_element_type3A_118 = arith.extui %lt3A_117 : i1 to i32
    %cond3A_119 = arith.constant 0 : i32
    %cond3A_120 = arith.cmpi ne, %convert_element_type3A_118, %cond3A_119 : i32
    scf.if %cond3A_120 {
      %add3A_121 = arith.constant 64 : i32
      %add3A_122 = arith.addi %squeeze3A, %add3A_121 : i32
      %sub3A = arith.constant 1 : i32
      %sub3A_123 = arith.subi %add3A_122, %sub3A : i32
      %jit3A = arith.constant 64 : i32
      %div3A = arith.divsi %sub3A_123, %jit3A : i32
      %sign3A = arith.constant 0 : i32
      %sign3A_124 = arith.cmpi sgt, %sub3A_123, %sign3A : i32
      %sign3A_125 = arith.extui %sign3A_124 : i1 to i32
      %sign3A_126 = arith.constant 0 : i32
      %sign3A_127 = arith.cmpi slt, %sub3A_123, %sign3A_126 : i32
      %sign3A_128 = arith.extui %sign3A_127 : i1 to i32
      %sign3A_129 = arith.subi %sign3A_125, %sign3A_128 : i32
      %sign3A_130 = arith.constant 0 : i32
      %sign3A_131 = arith.cmpi sgt, %jit3A, %sign3A_130 : i32
      %sign3A_132 = arith.extui %sign3A_131 : i1 to i32
      %sign3A_133 = arith.constant 0 : i32
      %sign3A_134 = arith.cmpi slt, %jit3A, %sign3A_133 : i32
      %sign3A_135 = arith.extui %sign3A_134 : i1 to i32
      %sign3A_136 = arith.subi %sign3A_132, %sign3A_135 : i32
      %ne3A = arith.cmpi ne, %sign3A_129, %sign3A_136 : i32
      %rem3A = arith.remsi %sub3A_123, %jit3A : i32
      %ne3A_137 = arith.constant 0 : i32
      %ne3A_138 = arith.cmpi ne, %rem3A, %ne3A_137 : i32
      %and3A = arith.andi %ne3A, %ne3A_138 : i1
      %sub3A_139 = arith.constant 1 : i32
      %sub3A_140 = arith.subi %div3A, %sub3A_139 : i32
      %select_n3A = arith.select %and3A, %sub3A_140, %div3A : i32
      %gt3A = arith.constant 0 : i32
      %gt3A_141 = arith.cmpi sgt, %select_n3A, %gt3A : i32
      %convert_element_type3A_142 = arith.extui %gt3A_141 : i1 to i32
      %cond3A_143 = arith.constant 0 : i32
      %cond3A_144 = arith.cmpi ne, %convert_element_type3A_142, %cond3A_143 : i32
      scf.if %cond3A_144 {
        %add3A_180 = arith.constant 0 : i32
        %add3A_181 = vector.broadcast %add3A_180 : i32 to vector<16xi32>
        %add3A_182 = arith.addi %add3A_181, %iota3A : vector<16xi32>
        %sub3A_183 = arith.constant 1 : i32
        %sub3A_184 = arith.subi %squeeze3A, %sub3A_183 : i32
        %min3A_185 = vector.broadcast %sub3A_184 : i32 to vector<16xi32>
        %min3A_186 = arith.minsi %add3A_182, %min3A_185 : vector<16xi32>
        %gather3A_187 = tpu.vector_load_idx %arg9[%min3A_186] : memref<16384xi32, #tpu.memory_space<vmem>>[vector<16xi32>], vector<16xi32>,
        %swap3A_188 = arith.constant 0 : i32
        %swap3A_189 = arith.index_cast %swap3A_188 : i32 to index
        %swap3A_190 = arith.constant 0 : index
        %swap3A_191 = tpu.vector_load %arg10[%swap3A_189, %swap3A_190] {strides = array<i32>} : memref<2x64xi32, #tpu.memory_space<vmem>>, vector<16xi32>,
        tpu.vector_store %arg10[%swap3A_189, %swap3A_190], %gather3A_187 {strides = array<i32>} : memref<2x64xi32, #tpu.memory_space<vmem>>, vector<16xi32>,
        %mul3A_192 = arith.constant 8192 : i32
        %mul3A_193 = arith.muli %add3A, %mul3A_192 : i32
        %add3A_194 = arith.addi %gather3A, %min3A_186 : vector<16xi32>
        %and3A_195 = arith.constant 8191 : i32
        %and3A_196 = vector.broadcast %and3A_195 : i32 to vector<16xi32>
        %and3A_197 = arith.andi %add3A_194, %and3A_196 : vector<16xi32>
        %add3A_198 = vector.broadcast %mul3A_193 : i32 to vector<16xi32>
        %add3A_199 = arith.addi %add3A_198, %and3A_197 : vector<16xi32>
        %swap3A_200 = arith.constant 0 : i32
        %swap3A_201 = arith.index_cast %swap3A_200 : i32 to index
        %swap3A_202 = arith.constant 0 : index
        %swap3A_203 = tpu.vector_load %arg11[%swap3A_201, %swap3A_202] {strides = array<i32>} : memref<2x64xi32, #tpu.memory_space<vmem>>, vector<16xi32>,
        tpu.vector_store %arg11[%swap3A_201, %swap3A_202], %add3A_199 {strides = array<i32>} : memref<2x64xi32, #tpu.memory_space<vmem>>, vector<16xi32>,
        %add3A_204 = arith.constant 16 : i32
        %add3A_205 = vector.broadcast %add3A_204 : i32 to vector<16xi32>
        %add3A_206 = arith.addi %add3A_205, %iota3A : vector<16xi32>
        %sub3A_207 = arith.constant 1 : i32
        %sub3A_208 = arith.subi %squeeze3A, %sub3A_207 : i32
        %min3A_209 = vector.broadcast %sub3A_208 : i32 to vector<16xi32>
        %min3A_210 = arith.minsi %add3A_206, %min3A_209 : vector<16xi32>
        %gather3A_211 = tpu.vector_load_idx %arg9[%min3A_210] : memref<16384xi32, #tpu.memory_space<vmem>>[vector<16xi32>], vector<16xi32>,
        %swap3A_212 = arith.constant 0 : i32
        %swap3A_213 = arith.index_cast %swap3A_212 : i32 to index
        %swap3A_214 = arith.constant 16 : index
        %swap3A_215 = tpu.vector_load %arg10[%swap3A_213, %swap3A_214] {strides = array<i32>} : memref<2x64xi32, #tpu.memory_space<vmem>>, vector<16xi32>,
        tpu.vector_store %arg10[%swap3A_213, %swap3A_214], %gather3A_211 {strides = array<i32>} : memref<2x64xi32, #tpu.memory_space<vmem>>, vector<16xi32>,
        %mul3A_216 = arith.constant 8192 : i32
        %mul3A_217 = arith.muli %add3A, %mul3A_216 : i32
        %add3A_218 = arith.addi %gather3A, %min3A_210 : vector<16xi32>
        %and3A_219 = arith.constant 8191 : i32
        %and3A_220 = vector.broadcast %and3A_219 : i32 to vector<16xi32>
        %and3A_221 = arith.andi %add3A_218, %and3A_220 : vector<16xi32>
        %add3A_222 = vector.broadcast %mul3A_217 : i32 to vector<16xi32>
        %add3A_223 = arith.addi %add3A_222, %and3A_221 : vector<16xi32>
        %swap3A_224 = arith.constant 0 : i32
        %swap3A_225 = arith.index_cast %swap3A_224 : i32 to index
        %swap3A_226 = arith.constant 16 : index
        %swap3A_227 = tpu.vector_load %arg11[%swap3A_225, %swap3A_226] {strides = array<i32>} : memref<2x64xi32, #tpu.memory_space<vmem>>, vector<16xi32>,
        tpu.vector_store %arg11[%swap3A_225, %swap3A_226], %add3A_223 {strides = array<i32>} : memref<2x64xi32, #tpu.memory_space<vmem>>, vector<16xi32>,
        %add3A_228 = arith.constant 32 : i32
        %add3A_229 = vector.broadcast %add3A_228 : i32 to vector<16xi32>
        %add3A_230 = arith.addi %add3A_229, %iota3A : vector<16xi32>
        %sub3A_231 = arith.constant 1 : i32
        %sub3A_232 = arith.subi %squeeze3A, %sub3A_231 : i32
        %min3A_233 = vector.broadcast %sub3A_232 : i32 to vector<16xi32>
        %min3A_234 = arith.minsi %add3A_230, %min3A_233 : vector<16xi32>
        %gather3A_235 = tpu.vector_load_idx %arg9[%min3A_234] : memref<16384xi32, #tpu.memory_space<vmem>>[vector<16xi32>], vector<16xi32>,
        %swap3A_236 = arith.constant 0 : i32
        %swap3A_237 = arith.index_cast %swap3A_236 : i32 to index
        %swap3A_238 = arith.constant 32 : index
        %swap3A_239 = tpu.vector_load %arg10[%swap3A_237, %swap3A_238] {strides = array<i32>} : memref<2x64xi32, #tpu.memory_space<vmem>>, vector<16xi32>,
        tpu.vector_store %arg10[%swap3A_237, %swap3A_238], %gather3A_235 {strides = array<i32>} : memref<2x64xi32, #tpu.memory_space<vmem>>, vector<16xi32>,
        %mul3A_240 = arith.constant 8192 : i32
        %mul3A_241 = arith.muli %add3A, %mul3A_240 : i32
        %add3A_242 = arith.addi %gather3A, %min3A_234 : vector<16xi32>
        %and3A_243 = arith.constant 8191 : i32
        %and3A_244 = vector.broadcast %and3A_243 : i32 to vector<16xi32>
        %and3A_245 = arith.andi %add3A_242, %and3A_244 : vector<16xi32>
        %add3A_246 = vector.broadcast %mul3A_241 : i32 to vector<16xi32>
        %add3A_247 = arith.addi %add3A_246, %and3A_245 : vector<16xi32>
        %swap3A_248 = arith.constant 0 : i32
        %swap3A_249 = arith.index_cast %swap3A_248 : i32 to index
        %swap3A_250 = arith.constant 32 : index
        %swap3A_251 = tpu.vector_load %arg11[%swap3A_249, %swap3A_250] {strides = array<i32>} : memref<2x64xi32, #tpu.memory_space<vmem>>, vector<16xi32>,
        tpu.vector_store %arg11[%swap3A_249, %swap3A_250], %add3A_247 {strides = array<i32>} : memref<2x64xi32, #tpu.memory_space<vmem>>, vector<16xi32>,
        %add3A_252 = arith.constant 48 : i32
        %add3A_253 = vector.broadcast %add3A_252 : i32 to vector<16xi32>
        %add3A_254 = arith.addi %add3A_253, %iota3A : vector<16xi32>
        %sub3A_255 = arith.constant 1 : i32
        %sub3A_256 = arith.subi %squeeze3A, %sub3A_255 : i32
        %min3A_257 = vector.broadcast %sub3A_256 : i32 to vector<16xi32>
        %min3A_258 = arith.minsi %add3A_254, %min3A_257 : vector<16xi32>
        %gather3A_259 = tpu.vector_load_idx %arg9[%min3A_258] : memref<16384xi32, #tpu.memory_space<vmem>>[vector<16xi32>], vector<16xi32>,
        %swap3A_260 = arith.constant 0 : i32
        %swap3A_261 = arith.index_cast %swap3A_260 : i32 to index
        %swap3A_262 = arith.constant 48 : index
        %swap3A_263 = tpu.vector_load %arg10[%swap3A_261, %swap3A_262] {strides = array<i32>} : memref<2x64xi32, #tpu.memory_space<vmem>>, vector<16xi32>,
        tpu.vector_store %arg10[%swap3A_261, %swap3A_262], %gather3A_259 {strides = array<i32>} : memref<2x64xi32, #tpu.memory_space<vmem>>, vector<16xi32>,
        %mul3A_264 = arith.constant 8192 : i32
        %mul3A_265 = arith.muli %add3A, %mul3A_264 : i32
        %add3A_266 = arith.addi %gather3A, %min3A_258 : vector<16xi32>
        %and3A_267 = arith.constant 8191 : i32
        %and3A_268 = vector.broadcast %and3A_267 : i32 to vector<16xi32>
        %and3A_269 = arith.andi %add3A_266, %and3A_268 : vector<16xi32>
        %add3A_270 = vector.broadcast %mul3A_265 : i32 to vector<16xi32>
        %add3A_271 = arith.addi %add3A_270, %and3A_269 : vector<16xi32>
        %swap3A_272 = arith.constant 0 : i32
        %swap3A_273 = arith.index_cast %swap3A_272 : i32 to index
        %swap3A_274 = arith.constant 48 : index
        %swap3A_275 = tpu.vector_load %arg11[%swap3A_273, %swap3A_274] {strides = array<i32>} : memref<2x64xi32, #tpu.memory_space<vmem>>, vector<16xi32>,
        tpu.vector_store %arg11[%swap3A_273, %swap3A_274], %add3A_271 {strides = array<i32>} : memref<2x64xi32, #tpu.memory_space<vmem>>, vector<16xi32>,
        %dma_start3A_276 = arith.constant 0 : i32
        %dma_start3A_277 = arith.constant 0 : i32
        %dma_start3A_278 = tpu.memref_slice %arg10[%dma_start3A_276, %dma_start3A_277] : memref<2x64xi32, #tpu.memory_space<vmem>> -> memref<1x64xi32, #tpu.memory_space<vmem>>
        %dma_start3A_279 = tpu.memref_squeeze %dma_start3A_278 : memref<1x64xi32, #tpu.memory_space<vmem>> -> memref<64xi32, #tpu.memory_space<vmem>>
        %dma_start3A_280 = arith.constant 0 : i32
        %dma_start3A_281 = arith.constant 0 : i32
        %dma_start3A_282 = tpu.memref_slice %arg2[%dma_start3A_280, %dma_start3A_281] : memref<16384x128xf32, #tpu.memory_space<hbm>> -> memref<16384x128xf32, #tpu.memory_space<hbm>>
        tpu.enqueue_indirect_dma source(%dma_start3A_282 : memref<16384x128xf32, #tpu.memory_space<hbm>>) target(%arg15 : memref<64x128xf32, #tpu.memory_space<vmem>>) offsets(%dma_start3A_279 : memref<64xi32, #tpu.memory_space<vmem>>) semaphore(%arg23 : memref<!tpu.dma_semaphore, #tpu.memory_space<semaphore_mem>>)
      } else {
      }
      %add3A_145 = arith.constant 1 : i32
      %add3A_146 = arith.addi %select_n3A, %add3A_145 : i32
      %jit3A_147 = arith.constant 2 : i32
      %div3A_148 = arith.divsi %add3A_146, %jit3A_147 : i32
      %sign3A_149 = arith.constant 0 : i32
      %sign3A_150 = arith.cmpi sgt, %add3A_146, %sign3A_149 : i32
      %sign3A_151 = arith.extui %sign3A_150 : i1 to i32
      %sign3A_152 = arith.constant 0 : i32
      %sign3A_153 = arith.cmpi slt, %add3A_146, %sign3A_152 : i32
      %sign3A_154 = arith.extui %sign3A_153 : i1 to i32
      %sign3A_155 = arith.subi %sign3A_151, %sign3A_154 : i32
      %sign3A_156 = arith.constant 0 : i32
      %sign3A_157 = arith.cmpi sgt, %jit3A_147, %sign3A_156 : i32
      %sign3A_158 = arith.extui %sign3A_157 : i1 to i32
      %sign3A_159 = arith.constant 0 : i32
      %sign3A_160 = arith.cmpi slt, %jit3A_147, %sign3A_159 : i32
      %sign3A_161 = arith.extui %sign3A_160 : i1 to i32
      %sign3A_162 = arith.subi %sign3A_158, %sign3A_161 : i32
      %ne3A_163 = arith.cmpi ne, %sign3A_155, %sign3A_162 : i32
      %rem3A_164 = arith.remsi %add3A_146, %jit3A_147 : i32
      %ne3A_165 = arith.constant 0 : i32
      %ne3A_166 = arith.cmpi ne, %rem3A_164, %ne3A_165 : i32
      %and3A_167 = arith.andi %ne3A_163, %ne3A_166 : i1
      %sub3A_168 = arith.constant 1 : i32
      %sub3A_169 = arith.subi %div3A_148, %sub3A_168 : i32
      %select_n3A_170 = arith.select %and3A_167, %sub3A_169, %div3A_148 : i32
      %while3A = arith.constant 0 : i32
      %while3A_171 = arith.constant 0 : i32
      %while3A_172 = arith.subi %select_n3A_170, %while3A_171 : i32
      %while3A_173 = arith.addi %while3A_171, %while3A_172 : i32
      %while3A_174 = arith.constant 1 : i32
      %while3A_175 = arith.divsi %while3A_172, %while3A_174 : i32
      %while3A_176 = arith.muli %while3A_175, %while3A_174 : i32
      %while3A_177 = arith.addi %while3A_171, %while3A_176 : i32
      %while3A_178 = arith.constant 1 : i32
      scf.for %while3A_180 = %while3A_171 to %while3A_177 step %while3A_178  : i32 {
        %mul3A_181 = arith.constant 2 : i32
        %mul3A_182 = arith.muli %while3A_180, %mul3A_181 : i32
        %add3A_183 = arith.constant 0 : i32
        %add3A_184 = arith.addi %mul3A_182, %add3A_183 : i32
        %lt3A_185 = arith.cmpi slt, %add3A_184, %select_n3A : i32
        %convert_element_type3A_186 = arith.extui %lt3A_185 : i1 to i32
        %cond3A_187 = arith.constant 0 : i32
        %cond3A_188 = arith.cmpi ne, %convert_element_type3A_186, %cond3A_187 : i32
        scf.if %cond3A_188 {
          %dma_wait3A_197 = arith.constant 0 : i32
          %dma_wait3A_198 = arith.constant 0 : i32
          %dma_wait3A_199 = tpu.memref_slice %arg10[%dma_wait3A_197, %dma_wait3A_198] : memref<2x64xi32, #tpu.memory_space<vmem>> -> memref<1x64xi32, #tpu.memory_space<vmem>>
          %dma_wait3A_200 = tpu.memref_squeeze %dma_wait3A_199 : memref<1x64xi32, #tpu.memory_space<vmem>> -> memref<64xi32, #tpu.memory_space<vmem>>
          %dma_wait3A_201 = arith.constant 0 : i32
          %dma_wait3A_202 = arith.constant 0 : i32
          %dma_wait3A_203 = tpu.memref_slice %arg2[%dma_wait3A_201, %dma_wait3A_202] : memref<16384x128xf32, #tpu.memory_space<hbm>> -> memref<16384x128xf32, #tpu.memory_space<hbm>>
          tpu.wait_indirect_dma semaphore(%arg23 : memref<!tpu.dma_semaphore, #tpu.memory_space<semaphore_mem>>) src(%dma_wait3A_203 : memref<16384x128xf32, #tpu.memory_space<hbm>>) dst(%arg15 : memref<64x128xf32, #tpu.memory_space<vmem>>)
          %add3A_204 = arith.constant 1 : i32
          %add3A_205 = arith.addi %add3A_184, %add3A_204 : i32
          %lt3A_206 = arith.cmpi slt, %add3A_205, %select_n3A : i32
          %convert_element_type3A_207 = arith.extui %lt3A_206 : i1 to i32
          %cond3A_208 = arith.constant 0 : i32
          %cond3A_209 = arith.cmpi ne, %convert_element_type3A_207, %cond3A_208 : i32
          scf.if %cond3A_209 {
            %add3A_224 = arith.constant 1 : i32
            %add3A_225 = arith.addi %add3A_184, %add3A_224 : i32
            %mul3A_226 = arith.constant 64 : i32
            %mul3A_227 = arith.muli %add3A_225, %mul3A_226 : i32
            %add3A_228 = arith.constant 0 : i32
            %add3A_229 = arith.addi %mul3A_227, %add3A_228 : i32
            %add3A_230 = vector.broadcast %add3A_229 : i32 to vector<16xi32>
            %add3A_231 = arith.addi %add3A_230, %iota3A : vector<16xi32>
            %sub3A_232 = arith.constant 1 : i32
            %sub3A_233 = arith.subi %squeeze3A, %sub3A_232 : i32
            %min3A_234 = vector.broadcast %sub3A_233 : i32 to vector<16xi32>
            %min3A_235 = arith.minsi %add3A_231, %min3A_234 : vector<16xi32>
            %gather3A_236 = tpu.vector_load_idx %arg9[%min3A_235] : memref<16384xi32, #tpu.memory_space<vmem>>[vector<16xi32>], vector<16xi32>,
            %swap3A_237 = arith.constant 1 : i32
            %swap3A_238 = arith.index_cast %swap3A_237 : i32 to index
            %swap3A_239 = arith.constant 0 : index
            %swap3A_240 = tpu.vector_load %arg10[%swap3A_238, %swap3A_239] {strides = array<i32>} : memref<2x64xi32, #tpu.memory_space<vmem>>, vector<16xi32>,
            tpu.vector_store %arg10[%swap3A_238, %swap3A_239], %gather3A_236 {strides = array<i32>} : memref<2x64xi32, #tpu.memory_space<vmem>>, vector<16xi32>,
            %mul3A_241 = arith.constant 8192 : i32
            %mul3A_242 = arith.muli %add3A, %mul3A_241 : i32
            %add3A_243 = arith.addi %gather3A, %min3A_235 : vector<16xi32>
            %and3A_244 = arith.constant 8191 : i32
            %and3A_245 = vector.broadcast %and3A_244 : i32 to vector<16xi32>
            %and3A_246 = arith.andi %add3A_243, %and3A_245 : vector<16xi32>
            %add3A_247 = vector.broadcast %mul3A_242 : i32 to vector<16xi32>
            %add3A_248 = arith.addi %add3A_247, %and3A_246 : vector<16xi32>
            %swap3A_249 = arith.constant 1 : i32
            %swap3A_250 = arith.index_cast %swap3A_249 : i32 to index
            %swap3A_251 = arith.constant 0 : index
            %swap3A_252 = tpu.vector_load %arg11[%swap3A_250, %swap3A_251] {strides = array<i32>} : memref<2x64xi32, #tpu.memory_space<vmem>>, vector<16xi32>,
            tpu.vector_store %arg11[%swap3A_250, %swap3A_251], %add3A_248 {strides = array<i32>} : memref<2x64xi32, #tpu.memory_space<vmem>>, vector<16xi32>,
            %add3A_253 = arith.constant 16 : i32
            %add3A_254 = arith.addi %mul3A_227, %add3A_253 : i32
            %add3A_255 = vector.broadcast %add3A_254 : i32 to vector<16xi32>
            %add3A_256 = arith.addi %add3A_255, %iota3A : vector<16xi32>
            %sub3A_257 = arith.constant 1 : i32
            %sub3A_258 = arith.subi %squeeze3A, %sub3A_257 : i32
            %min3A_259 = vector.broadcast %sub3A_258 : i32 to vector<16xi32>
            %min3A_260 = arith.minsi %add3A_256, %min3A_259 : vector<16xi32>
            %gather3A_261 = tpu.vector_load_idx %arg9[%min3A_260] : memref<16384xi32, #tpu.memory_space<vmem>>[vector<16xi32>], vector<16xi32>,
            %swap3A_262 = arith.constant 1 : i32
            %swap3A_263 = arith.index_cast %swap3A_262 : i32 to index
            %swap3A_264 = arith.constant 16 : index
            %swap3A_265 = tpu.vector_load %arg10[%swap3A_263, %swap3A_264] {strides = array<i32>} : memref<2x64xi32, #tpu.memory_space<vmem>>, vector<16xi32>,
            tpu.vector_store %arg10[%swap3A_263, %swap3A_264], %gather3A_261 {strides = array<i32>} : memref<2x64xi32, #tpu.memory_space<vmem>>, vector<16xi32>,
            %mul3A_266 = arith.constant 8192 : i32
            %mul3A_267 = arith.muli %add3A, %mul3A_266 : i32
            %add3A_268 = arith.addi %gather3A, %min3A_260 : vector<16xi32>
            %and3A_269 = arith.constant 8191 : i32
            %and3A_270 = vector.broadcast %and3A_269 : i32 to vector<16xi32>
            %and3A_271 = arith.andi %add3A_268, %and3A_270 : vector<16xi32>
            %add3A_272 = vector.broadcast %mul3A_267 : i32 to vector<16xi32>
            %add3A_273 = arith.addi %add3A_272, %and3A_271 : vector<16xi32>
            %swap3A_274 = arith.constant 1 : i32
            %swap3A_275 = arith.index_cast %swap3A_274 : i32 to index
            %swap3A_276 = arith.constant 16 : index
            %swap3A_277 = tpu.vector_load %arg11[%swap3A_275, %swap3A_276] {strides = array<i32>} : memref<2x64xi32, #tpu.memory_space<vmem>>, vector<16xi32>,
            tpu.vector_store %arg11[%swap3A_275, %swap3A_276], %add3A_273 {strides = array<i32>} : memref<2x64xi32, #tpu.memory_space<vmem>>, vector<16xi32>,
            %add3A_278 = arith.constant 32 : i32
            %add3A_279 = arith.addi %mul3A_227, %add3A_278 : i32
            %add3A_280 = vector.broadcast %add3A_279 : i32 to vector<16xi32>
            %add3A_281 = arith.addi %add3A_280, %iota3A : vector<16xi32>
            %sub3A_282 = arith.constant 1 : i32
            %sub3A_283 = arith.subi %squeeze3A, %sub3A_282 : i32
            %min3A_284 = vector.broadcast %sub3A_283 : i32 to vector<16xi32>
            %min3A_285 = arith.minsi %add3A_281, %min3A_284 : vector<16xi32>
            %gather3A_286 = tpu.vector_load_idx %arg9[%min3A_285] : memref<16384xi32, #tpu.memory_space<vmem>>[vector<16xi32>], vector<16xi32>,
            %swap3A_287 = arith.constant 1 : i32
            %swap3A_288 = arith.index_cast %swap3A_287 : i32 to index
            %swap3A_289 = arith.constant 32 : index
            %swap3A_290 = tpu.vector_load %arg10[%swap3A_288, %swap3A_289] {strides = array<i32>} : memref<2x64xi32, #tpu.memory_space<vmem>>, vector<16xi32>,
            tpu.vector_store %arg10[%swap3A_288, %swap3A_289], %gather3A_286 {strides = array<i32>} : memref<2x64xi32, #tpu.memory_space<vmem>>, vector<16xi32>,
            %mul3A_291 = arith.constant 8192 : i32
            %mul3A_292 = arith.muli %add3A, %mul3A_291 : i32
            %add3A_293 = arith.addi %gather3A, %min3A_285 : vector<16xi32>
            %and3A_294 = arith.constant 8191 : i32
            %and3A_295 = vector.broadcast %and3A_294 : i32 to vector<16xi32>
            %and3A_296 = arith.andi %add3A_293, %and3A_295 : vector<16xi32>
            %add3A_297 = vector.broadcast %mul3A_292 : i32 to vector<16xi32>
            %add3A_298 = arith.addi %add3A_297, %and3A_296 : vector<16xi32>
            %swap3A_299 = arith.constant 1 : i32
            %swap3A_300 = arith.index_cast %swap3A_299 : i32 to index
            %swap3A_301 = arith.constant 32 : index
            %swap3A_302 = tpu.vector_load %arg11[%swap3A_300, %swap3A_301] {strides = array<i32>} : memref<2x64xi32, #tpu.memory_space<vmem>>, vector<16xi32>,
            tpu.vector_store %arg11[%swap3A_300, %swap3A_301], %add3A_298 {strides = array<i32>} : memref<2x64xi32, #tpu.memory_space<vmem>>, vector<16xi32>,
            %add3A_303 = arith.constant 48 : i32
            %add3A_304 = arith.addi %mul3A_227, %add3A_303 : i32
            %add3A_305 = vector.broadcast %add3A_304 : i32 to vector<16xi32>
            %add3A_306 = arith.addi %add3A_305, %iota3A : vector<16xi32>
            %sub3A_307 = arith.constant 1 : i32
            %sub3A_308 = arith.subi %squeeze3A, %sub3A_307 : i32
            %min3A_309 = vector.broadcast %sub3A_308 : i32 to vector<16xi32>
            %min3A_310 = arith.minsi %add3A_306, %min3A_309 : vector<16xi32>
            %gather3A_311 = tpu.vector_load_idx %arg9[%min3A_310] : memref<16384xi32, #tpu.memory_space<vmem>>[vector<16xi32>], vector<16xi32>,
            %swap3A_312 = arith.constant 1 : i32
            %swap3A_313 = arith.index_cast %swap3A_312 : i32 to index
            %swap3A_314 = arith.constant 48 : index
            %swap3A_315 = tpu.vector_load %arg10[%swap3A_313, %swap3A_314] {strides = array<i32>} : memref<2x64xi32, #tpu.memory_space<vmem>>, vector<16xi32>,
            tpu.vector_store %arg10[%swap3A_313, %swap3A_314], %gather3A_311 {strides = array<i32>} : memref<2x64xi32, #tpu.memory_space<vmem>>, vector<16xi32>,
            %mul3A_316 = arith.constant 8192 : i32
            %mul3A_317 = arith.muli %add3A, %mul3A_316 : i32
            %add3A_318 = arith.addi %gather3A, %min3A_310 : vector<16xi32>
            %and3A_319 = arith.constant 8191 : i32
            %and3A_320 = vector.broadcast %and3A_319 : i32 to vector<16xi32>
            %and3A_321 = arith.andi %add3A_318, %and3A_320 : vector<16xi32>
            %add3A_322 = vector.broadcast %mul3A_317 : i32 to vector<16xi32>
            %add3A_323 = arith.addi %add3A_322, %and3A_321 : vector<16xi32>
            %swap3A_324 = arith.constant 1 : i32
            %swap3A_325 = arith.index_cast %swap3A_324 : i32 to index
            %swap3A_326 = arith.constant 48 : index
            %swap3A_327 = tpu.vector_load %arg11[%swap3A_325, %swap3A_326] {strides = array<i32>} : memref<2x64xi32, #tpu.memory_space<vmem>>, vector<16xi32>,
            tpu.vector_store %arg11[%swap3A_325, %swap3A_326], %add3A_323 {strides = array<i32>} : memref<2x64xi32, #tpu.memory_space<vmem>>, vector<16xi32>,
            %dma_start3A_328 = arith.constant 1 : i32
            %dma_start3A_329 = arith.constant 0 : i32
            %dma_start3A_330 = tpu.memref_slice %arg10[%dma_start3A_328, %dma_start3A_329] : memref<2x64xi32, #tpu.memory_space<vmem>> -> memref<1x64xi32, #tpu.memory_space<vmem>>
            %dma_start3A_331 = tpu.memref_squeeze %dma_start3A_330 : memref<1x64xi32, #tpu.memory_space<vmem>> -> memref<64xi32, #tpu.memory_space<vmem>>
            %dma_start3A_332 = arith.constant 0 : i32
            %dma_start3A_333 = arith.constant 0 : i32
            %dma_start3A_334 = tpu.memref_slice %arg2[%dma_start3A_332, %dma_start3A_333] : memref<16384x128xf32, #tpu.memory_space<hbm>> -> memref<16384x128xf32, #tpu.memory_space<hbm>>
            tpu.enqueue_indirect_dma source(%dma_start3A_334 : memref<16384x128xf32, #tpu.memory_space<hbm>>) target(%arg16 : memref<64x128xf32, #tpu.memory_space<vmem>>) offsets(%dma_start3A_331 : memref<64xi32, #tpu.memory_space<vmem>>) semaphore(%arg24 : memref<!tpu.dma_semaphore, #tpu.memory_space<semaphore_mem>>)
          } else {
          }
          %dma_start3A_210 = arith.constant 0 : i32
          %dma_start3A_211 = arith.constant 0 : i32
          %dma_start3A_212 = tpu.memref_slice %arg11[%dma_start3A_210, %dma_start3A_211] : memref<2x64xi32, #tpu.memory_space<vmem>> -> memref<1x64xi32, #tpu.memory_space<vmem>>
          %dma_start3A_213 = tpu.memref_squeeze %dma_start3A_212 : memref<1x64xi32, #tpu.memory_space<vmem>> -> memref<64xi32, #tpu.memory_space<vmem>>
          %dma_start3A_214 = arith.constant 0 : i32
          %dma_start3A_215 = arith.constant 0 : i32
          %dma_start3A_216 = tpu.memref_slice %arg6[%dma_start3A_214, %dma_start3A_215] : memref<212992x128xf32, #tpu.memory_space<hbm>> -> memref<212992x128xf32, #tpu.memory_space<hbm>>
          tpu.enqueue_indirect_dma source(%arg15 : memref<64x128xf32, #tpu.memory_space<vmem>>) target(%dma_start3A_216 : memref<212992x128xf32, #tpu.memory_space<hbm>>) offsets(%dma_start3A_213 : memref<64xi32, #tpu.memory_space<vmem>>) semaphore(%arg31 : memref<!tpu.dma_semaphore, #tpu.memory_space<semaphore_mem>>)
          %dma_wait3A_217 = arith.constant 0 : i32
          %dma_wait3A_218 = arith.constant 0 : i32
          %dma_wait3A_219 = tpu.memref_slice %arg11[%dma_wait3A_217, %dma_wait3A_218] : memref<2x64xi32, #tpu.memory_space<vmem>> -> memref<1x64xi32, #tpu.memory_space<vmem>>
          %dma_wait3A_220 = tpu.memref_squeeze %dma_wait3A_219 : memref<1x64xi32, #tpu.memory_space<vmem>> -> memref<64xi32, #tpu.memory_space<vmem>>
          %dma_wait3A_221 = arith.constant 0 : i32
          %dma_wait3A_222 = arith.constant 0 : i32
          %dma_wait3A_223 = tpu.memref_slice %arg6[%dma_wait3A_221, %dma_wait3A_222] : memref<212992x128xf32, #tpu.memory_space<hbm>> -> memref<212992x128xf32, #tpu.memory_space<hbm>>
          tpu.wait_indirect_dma semaphore(%arg31 : memref<!tpu.dma_semaphore, #tpu.memory_space<semaphore_mem>>) src(%arg15 : memref<64x128xf32, #tpu.memory_space<vmem>>) dst(%dma_wait3A_223 : memref<212992x128xf32, #tpu.memory_space<hbm>>)
        } else {
        }
        %mul3A_189 = arith.constant 2 : i32
        %mul3A_190 = arith.muli %while3A_180, %mul3A_189 : i32
        %add3A_191 = arith.constant 1 : i32
        %add3A_192 = arith.addi %mul3A_190, %add3A_191 : i32
        %lt3A_193 = arith.cmpi slt, %add3A_192, %select_n3A : i32
        %convert_element_type3A_194 = arith.extui %lt3A_193 : i1 to i32
        %cond3A_195 = arith.constant 0 : i32
        %cond3A_196 = arith.cmpi ne, %convert_element_type3A_194, %cond3A_195 : i32
        scf.if %cond3A_196 {
          %dma_wait3A_197 = arith.constant 1 : i32
          %dma_wait3A_198 = arith.constant 0 : i32
          %dma_wait3A_199 = tpu.memref_slice %arg10[%dma_wait3A_197, %dma_wait3A_198] : memref<2x64xi32, #tpu.memory_space<vmem>> -> memref<1x64xi32, #tpu.memory_space<vmem>>
          %dma_wait3A_200 = tpu.memref_squeeze %dma_wait3A_199 : memref<1x64xi32, #tpu.memory_space<vmem>> -> memref<64xi32, #tpu.memory_space<vmem>>
          %dma_wait3A_201 = arith.constant 0 : i32
          %dma_wait3A_202 = arith.constant 0 : i32
          %dma_wait3A_203 = tpu.memref_slice %arg2[%dma_wait3A_201, %dma_wait3A_202] : memref<16384x128xf32, #tpu.memory_space<hbm>> -> memref<16384x128xf32, #tpu.memory_space<hbm>>
          tpu.wait_indirect_dma semaphore(%arg24 : memref<!tpu.dma_semaphore, #tpu.memory_space<semaphore_mem>>) src(%dma_wait3A_203 : memref<16384x128xf32, #tpu.memory_space<hbm>>) dst(%arg16 : memref<64x128xf32, #tpu.memory_space<vmem>>)
          %add3A_204 = arith.constant 1 : i32
          %add3A_205 = arith.addi %add3A_192, %add3A_204 : i32
          %lt3A_206 = arith.cmpi slt, %add3A_205, %select_n3A : i32
          %convert_element_type3A_207 = arith.extui %lt3A_206 : i1 to i32
          %cond3A_208 = arith.constant 0 : i32
          %cond3A_209 = arith.cmpi ne, %convert_element_type3A_207, %cond3A_208 : i32
          scf.if %cond3A_209 {
            %add3A_224 = arith.constant 1 : i32
            %add3A_225 = arith.addi %add3A_192, %add3A_224 : i32
            %mul3A_226 = arith.constant 64 : i32
            %mul3A_227 = arith.muli %add3A_225, %mul3A_226 : i32
            %add3A_228 = arith.constant 0 : i32
            %add3A_229 = arith.addi %mul3A_227, %add3A_228 : i32
            %add3A_230 = vector.broadcast %add3A_229 : i32 to vector<16xi32>
            %add3A_231 = arith.addi %add3A_230, %iota3A : vector<16xi32>
            %sub3A_232 = arith.constant 1 : i32
            %sub3A_233 = arith.subi %squeeze3A, %sub3A_232 : i32
            %min3A_234 = vector.broadcast %sub3A_233 : i32 to vector<16xi32>
            %min3A_235 = arith.minsi %add3A_231, %min3A_234 : vector<16xi32>
            %gather3A_236 = tpu.vector_load_idx %arg9[%min3A_235] : memref<16384xi32, #tpu.memory_space<vmem>>[vector<16xi32>], vector<16xi32>,
            %swap3A_237 = arith.constant 0 : i32
            %swap3A_238 = arith.index_cast %swap3A_237 : i32 to index
            %swap3A_239 = arith.constant 0 : index
            %swap3A_240 = tpu.vector_load %arg10[%swap3A_238, %swap3A_239] {strides = array<i32>} : memref<2x64xi32, #tpu.memory_space<vmem>>, vector<16xi32>,
            tpu.vector_store %arg10[%swap3A_238, %swap3A_239], %gather3A_236 {strides = array<i32>} : memref<2x64xi32, #tpu.memory_space<vmem>>, vector<16xi32>,
            %mul3A_241 = arith.constant 8192 : i32
            %mul3A_242 = arith.muli %add3A, %mul3A_241 : i32
            %add3A_243 = arith.addi %gather3A, %min3A_235 : vector<16xi32>
            %and3A_244 = arith.constant 8191 : i32
            %and3A_245 = vector.broadcast %and3A_244 : i32 to vector<16xi32>
            %and3A_246 = arith.andi %add3A_243, %and3A_245 : vector<16xi32>
            %add3A_247 = vector.broadcast %mul3A_242 : i32 to vector<16xi32>
            %add3A_248 = arith.addi %add3A_247, %and3A_246 : vector<16xi32>
            %swap3A_249 = arith.constant 0 : i32
            %swap3A_250 = arith.index_cast %swap3A_249 : i32 to index
            %swap3A_251 = arith.constant 0 : index
            %swap3A_252 = tpu.vector_load %arg11[%swap3A_250, %swap3A_251] {strides = array<i32>} : memref<2x64xi32, #tpu.memory_space<vmem>>, vector<16xi32>,
            tpu.vector_store %arg11[%swap3A_250, %swap3A_251], %add3A_248 {strides = array<i32>} : memref<2x64xi32, #tpu.memory_space<vmem>>, vector<16xi32>,
            %add3A_253 = arith.constant 16 : i32
            %add3A_254 = arith.addi %mul3A_227, %add3A_253 : i32
            %add3A_255 = vector.broadcast %add3A_254 : i32 to vector<16xi32>
            %add3A_256 = arith.addi %add3A_255, %iota3A : vector<16xi32>
            %sub3A_257 = arith.constant 1 : i32
            %sub3A_258 = arith.subi %squeeze3A, %sub3A_257 : i32
            %min3A_259 = vector.broadcast %sub3A_258 : i32 to vector<16xi32>
            %min3A_260 = arith.minsi %add3A_256, %min3A_259 : vector<16xi32>
            %gather3A_261 = tpu.vector_load_idx %arg9[%min3A_260] : memref<16384xi32, #tpu.memory_space<vmem>>[vector<16xi32>], vector<16xi32>,
            %swap3A_262 = arith.constant 0 : i32
            %swap3A_263 = arith.index_cast %swap3A_262 : i32 to index
            %swap3A_264 = arith.constant 16 : index
            %swap3A_265 = tpu.vector_load %arg10[%swap3A_263, %swap3A_264] {strides = array<i32>} : memref<2x64xi32, #tpu.memory_space<vmem>>, vector<16xi32>,
            tpu.vector_store %arg10[%swap3A_263, %swap3A_264], %gather3A_261 {strides = array<i32>} : memref<2x64xi32, #tpu.memory_space<vmem>>, vector<16xi32>,
            %mul3A_266 = arith.constant 8192 : i32
            %mul3A_267 = arith.muli %add3A, %mul3A_266 : i32
            %add3A_268 = arith.addi %gather3A, %min3A_260 : vector<16xi32>
            %and3A_269 = arith.constant 8191 : i32
            %and3A_270 = vector.broadcast %and3A_269 : i32 to vector<16xi32>
            %and3A_271 = arith.andi %add3A_268, %and3A_270 : vector<16xi32>
            %add3A_272 = vector.broadcast %mul3A_267 : i32 to vector<16xi32>
            %add3A_273 = arith.addi %add3A_272, %and3A_271 : vector<16xi32>
            %swap3A_274 = arith.constant 0 : i32
            %swap3A_275 = arith.index_cast %swap3A_274 : i32 to index
            %swap3A_276 = arith.constant 16 : index
            %swap3A_277 = tpu.vector_load %arg11[%swap3A_275, %swap3A_276] {strides = array<i32>} : memref<2x64xi32, #tpu.memory_space<vmem>>, vector<16xi32>,
            tpu.vector_store %arg11[%swap3A_275, %swap3A_276], %add3A_273 {strides = array<i32>} : memref<2x64xi32, #tpu.memory_space<vmem>>, vector<16xi32>,
            %add3A_278 = arith.constant 32 : i32
            %add3A_279 = arith.addi %mul3A_227, %add3A_278 : i32
            %add3A_280 = vector.broadcast %add3A_279 : i32 to vector<16xi32>
            %add3A_281 = arith.addi %add3A_280, %iota3A : vector<16xi32>
            %sub3A_282 = arith.constant 1 : i32
            %sub3A_283 = arith.subi %squeeze3A, %sub3A_282 : i32
            %min3A_284 = vector.broadcast %sub3A_283 : i32 to vector<16xi32>
            %min3A_285 = arith.minsi %add3A_281, %min3A_284 : vector<16xi32>
            %gather3A_286 = tpu.vector_load_idx %arg9[%min3A_285] : memref<16384xi32, #tpu.memory_space<vmem>>[vector<16xi32>], vector<16xi32>,
            %swap3A_287 = arith.constant 0 : i32
            %swap3A_288 = arith.index_cast %swap3A_287 : i32 to index
            %swap3A_289 = arith.constant 32 : index
            %swap3A_290 = tpu.vector_load %arg10[%swap3A_288, %swap3A_289] {strides = array<i32>} : memref<2x64xi32, #tpu.memory_space<vmem>>, vector<16xi32>,
            tpu.vector_store %arg10[%swap3A_288, %swap3A_289], %gather3A_286 {strides = array<i32>} : memref<2x64xi32, #tpu.memory_space<vmem>>, vector<16xi32>,
            %mul3A_291 = arith.constant 8192 : i32
            %mul3A_292 = arith.muli %add3A, %mul3A_291 : i32
            %add3A_293 = arith.addi %gather3A, %min3A_285 : vector<16xi32>
            %and3A_294 = arith.constant 8191 : i32
            %and3A_295 = vector.broadcast %and3A_294 : i32 to vector<16xi32>
            %and3A_296 = arith.andi %add3A_293, %and3A_295 : vector<16xi32>
            %add3A_297 = vector.broadcast %mul3A_292 : i32 to vector<16xi32>
            %add3A_298 = arith.addi %add3A_297, %and3A_296 : vector<16xi32>
            %swap3A_299 = arith.constant 0 : i32
            %swap3A_300 = arith.index_cast %swap3A_299 : i32 to index
            %swap3A_301 = arith.constant 32 : index
            %swap3A_302 = tpu.vector_load %arg11[%swap3A_300, %swap3A_301] {strides = array<i32>} : memref<2x64xi32, #tpu.memory_space<vmem>>, vector<16xi32>,
            tpu.vector_store %arg11[%swap3A_300, %swap3A_301], %add3A_298 {strides = array<i32>} : memref<2x64xi32, #tpu.memory_space<vmem>>, vector<16xi32>,
            %add3A_303 = arith.constant 48 : i32
            %add3A_304 = arith.addi %mul3A_227, %add3A_303 : i32
            %add3A_305 = vector.broadcast %add3A_304 : i32 to vector<16xi32>
            %add3A_306 = arith.addi %add3A_305, %iota3A : vector<16xi32>
            %sub3A_307 = arith.constant 1 : i32
            %sub3A_308 = arith.subi %squeeze3A, %sub3A_307 : i32
            %min3A_309 = vector.broadcast %sub3A_308 : i32 to vector<16xi32>
            %min3A_310 = arith.minsi %add3A_306, %min3A_309 : vector<16xi32>
            %gather3A_311 = tpu.vector_load_idx %arg9[%min3A_310] : memref<16384xi32, #tpu.memory_space<vmem>>[vector<16xi32>], vector<16xi32>,
            %swap3A_312 = arith.constant 0 : i32
            %swap3A_313 = arith.index_cast %swap3A_312 : i32 to index
            %swap3A_314 = arith.constant 48 : index
            %swap3A_315 = tpu.vector_load %arg10[%swap3A_313, %swap3A_314] {strides = array<i32>} : memref<2x64xi32, #tpu.memory_space<vmem>>, vector<16xi32>,
            tpu.vector_store %arg10[%swap3A_313, %swap3A_314], %gather3A_311 {strides = array<i32>} : memref<2x64xi32, #tpu.memory_space<vmem>>, vector<16xi32>,
            %mul3A_316 = arith.constant 8192 : i32
            %mul3A_317 = arith.muli %add3A, %mul3A_316 : i32
            %add3A_318 = arith.addi %gather3A, %min3A_310 : vector<16xi32>
            %and3A_319 = arith.constant 8191 : i32
            %and3A_320 = vector.broadcast %and3A_319 : i32 to vector<16xi32>
            %and3A_321 = arith.andi %add3A_318, %and3A_320 : vector<16xi32>
            %add3A_322 = vector.broadcast %mul3A_317 : i32 to vector<16xi32>
            %add3A_323 = arith.addi %add3A_322, %and3A_321 : vector<16xi32>
            %swap3A_324 = arith.constant 0 : i32
            %swap3A_325 = arith.index_cast %swap3A_324 : i32 to index
            %swap3A_326 = arith.constant 48 : index
            %swap3A_327 = tpu.vector_load %arg11[%swap3A_325, %swap3A_326] {strides = array<i32>} : memref<2x64xi32, #tpu.memory_space<vmem>>, vector<16xi32>,
            tpu.vector_store %arg11[%swap3A_325, %swap3A_326], %add3A_323 {strides = array<i32>} : memref<2x64xi32, #tpu.memory_space<vmem>>, vector<16xi32>,
            %dma_start3A_328 = arith.constant 0 : i32
            %dma_start3A_329 = arith.constant 0 : i32
            %dma_start3A_330 = tpu.memref_slice %arg10[%dma_start3A_328, %dma_start3A_329] : memref<2x64xi32, #tpu.memory_space<vmem>> -> memref<1x64xi32, #tpu.memory_space<vmem>>
            %dma_start3A_331 = tpu.memref_squeeze %dma_start3A_330 : memref<1x64xi32, #tpu.memory_space<vmem>> -> memref<64xi32, #tpu.memory_space<vmem>>
            %dma_start3A_332 = arith.constant 0 : i32
            %dma_start3A_333 = arith.constant 0 : i32
            %dma_start3A_334 = tpu.memref_slice %arg2[%dma_start3A_332, %dma_start3A_333] : memref<16384x128xf32, #tpu.memory_space<hbm>> -> memref<16384x128xf32, #tpu.memory_space<hbm>>
            tpu.enqueue_indirect_dma source(%dma_start3A_334 : memref<16384x128xf32, #tpu.memory_space<hbm>>) target(%arg15 : memref<64x128xf32, #tpu.memory_space<vmem>>) offsets(%dma_start3A_331 : memref<64xi32, #tpu.memory_space<vmem>>) semaphore(%arg23 : memref<!tpu.dma_semaphore, #tpu.memory_space<semaphore_mem>>)
          } else {
          }
          %dma_start3A_210 = arith.constant 1 : i32
          %dma_start3A_211 = arith.constant 0 : i32
          %dma_start3A_212 = tpu.memref_slice %arg11[%dma_start3A_210, %dma_start3A_211] : memref<2x64xi32, #tpu.memory_space<vmem>> -> memref<1x64xi32, #tpu.memory_space<vmem>>
          %dma_start3A_213 = tpu.memref_squeeze %dma_start3A_212 : memref<1x64xi32, #tpu.memory_space<vmem>> -> memref<64xi32, #tpu.memory_space<vmem>>
          %dma_start3A_214 = arith.constant 0 : i32
          %dma_start3A_215 = arith.constant 0 : i32
          %dma_start3A_216 = tpu.memref_slice %arg6[%dma_start3A_214, %dma_start3A_215] : memref<212992x128xf32, #tpu.memory_space<hbm>> -> memref<212992x128xf32, #tpu.memory_space<hbm>>
          tpu.enqueue_indirect_dma source(%arg16 : memref<64x128xf32, #tpu.memory_space<vmem>>) target(%dma_start3A_216 : memref<212992x128xf32, #tpu.memory_space<hbm>>) offsets(%dma_start3A_213 : memref<64xi32, #tpu.memory_space<vmem>>) semaphore(%arg32 : memref<!tpu.dma_semaphore, #tpu.memory_space<semaphore_mem>>)
          %dma_wait3A_217 = arith.constant 1 : i32
          %dma_wait3A_218 = arith.constant 0 : i32
          %dma_wait3A_219 = tpu.memref_slice %arg11[%dma_wait3A_217, %dma_wait3A_218] : memref<2x64xi32, #tpu.memory_space<vmem>> -> memref<1x64xi32, #tpu.memory_space<vmem>>
          %dma_wait3A_220 = tpu.memref_squeeze %dma_wait3A_219 : memref<1x64xi32, #tpu.memory_space<vmem>> -> memref<64xi32, #tpu.memory_space<vmem>>
          %dma_wait3A_221 = arith.constant 0 : i32
          %dma_wait3A_222 = arith.constant 0 : i32
          %dma_wait3A_223 = tpu.memref_slice %arg6[%dma_wait3A_221, %dma_wait3A_222] : memref<212992x128xf32, #tpu.memory_space<hbm>> -> memref<212992x128xf32, #tpu.memory_space<hbm>>
          tpu.wait_indirect_dma semaphore(%arg32 : memref<!tpu.dma_semaphore, #tpu.memory_space<semaphore_mem>>) src(%arg16 : memref<64x128xf32, #tpu.memory_space<vmem>>) dst(%dma_wait3A_223 : memref<212992x128xf32, #tpu.memory_space<hbm>>)
        } else {
        }
      }
      %while3A_179 = arith.constant 1 : i32
      scf.for %while3A_180 = %while3A_177 to %while3A_173 step %while3A_179  : i32 {
        %mul3A_181 = arith.constant 2 : i32
        %mul3A_182 = arith.muli %while3A_180, %mul3A_181 : i32
        %add3A_183 = arith.constant 0 : i32
        %add3A_184 = arith.addi %mul3A_182, %add3A_183 : i32
        %lt3A_185 = arith.cmpi slt, %add3A_184, %select_n3A : i32
        %convert_element_type3A_186 = arith.extui %lt3A_185 : i1 to i32
        %cond3A_187 = arith.constant 0 : i32
        %cond3A_188 = arith.cmpi ne, %convert_element_type3A_186, %cond3A_187 : i32
        scf.if %cond3A_188 {
          %dma_wait3A_197 = arith.constant 0 : i32
          %dma_wait3A_198 = arith.constant 0 : i32
          %dma_wait3A_199 = tpu.memref_slice %arg10[%dma_wait3A_197, %dma_wait3A_198] : memref<2x64xi32, #tpu.memory_space<vmem>> -> memref<1x64xi32, #tpu.memory_space<vmem>>
          %dma_wait3A_200 = tpu.memref_squeeze %dma_wait3A_199 : memref<1x64xi32, #tpu.memory_space<vmem>> -> memref<64xi32, #tpu.memory_space<vmem>>
          %dma_wait3A_201 = arith.constant 0 : i32
          %dma_wait3A_202 = arith.constant 0 : i32
          %dma_wait3A_203 = tpu.memref_slice %arg2[%dma_wait3A_201, %dma_wait3A_202] : memref<16384x128xf32, #tpu.memory_space<hbm>> -> memref<16384x128xf32, #tpu.memory_space<hbm>>
          tpu.wait_indirect_dma semaphore(%arg23 : memref<!tpu.dma_semaphore, #tpu.memory_space<semaphore_mem>>) src(%dma_wait3A_203 : memref<16384x128xf32, #tpu.memory_space<hbm>>) dst(%arg15 : memref<64x128xf32, #tpu.memory_space<vmem>>)
          %add3A_204 = arith.constant 1 : i32
          %add3A_205 = arith.addi %add3A_184, %add3A_204 : i32
          %lt3A_206 = arith.cmpi slt, %add3A_205, %select_n3A : i32
          %convert_element_type3A_207 = arith.extui %lt3A_206 : i1 to i32
          %cond3A_208 = arith.constant 0 : i32
          %cond3A_209 = arith.cmpi ne, %convert_element_type3A_207, %cond3A_208 : i32
          scf.if %cond3A_209 {
            %add3A_224 = arith.constant 1 : i32
            %add3A_225 = arith.addi %add3A_184, %add3A_224 : i32
            %mul3A_226 = arith.constant 64 : i32
            %mul3A_227 = arith.muli %add3A_225, %mul3A_226 : i32
            %add3A_228 = arith.constant 0 : i32
            %add3A_229 = arith.addi %mul3A_227, %add3A_228 : i32
            %add3A_230 = vector.broadcast %add3A_229 : i32 to vector<16xi32>
            %add3A_231 = arith.addi %add3A_230, %iota3A : vector<16xi32>
            %sub3A_232 = arith.constant 1 : i32
            %sub3A_233 = arith.subi %squeeze3A, %sub3A_232 : i32
            %min3A_234 = vector.broadcast %sub3A_233 : i32 to vector<16xi32>
            %min3A_235 = arith.minsi %add3A_231, %min3A_234 : vector<16xi32>
            %gather3A_236 = tpu.vector_load_idx %arg9[%min3A_235] : memref<16384xi32, #tpu.memory_space<vmem>>[vector<16xi32>], vector<16xi32>,
            %swap3A_237 = arith.constant 1 : i32
            %swap3A_238 = arith.index_cast %swap3A_237 : i32 to index
            %swap3A_239 = arith.constant 0 : index
            %swap3A_240 = tpu.vector_load %arg10[%swap3A_238, %swap3A_239] {strides = array<i32>} : memref<2x64xi32, #tpu.memory_space<vmem>>, vector<16xi32>,
            tpu.vector_store %arg10[%swap3A_238, %swap3A_239], %gather3A_236 {strides = array<i32>} : memref<2x64xi32, #tpu.memory_space<vmem>>, vector<16xi32>,
            %mul3A_241 = arith.constant 8192 : i32
            %mul3A_242 = arith.muli %add3A, %mul3A_241 : i32
            %add3A_243 = arith.addi %gather3A, %min3A_235 : vector<16xi32>
            %and3A_244 = arith.constant 8191 : i32
            %and3A_245 = vector.broadcast %and3A_244 : i32 to vector<16xi32>
            %and3A_246 = arith.andi %add3A_243, %and3A_245 : vector<16xi32>
            %add3A_247 = vector.broadcast %mul3A_242 : i32 to vector<16xi32>
            %add3A_248 = arith.addi %add3A_247, %and3A_246 : vector<16xi32>
            %swap3A_249 = arith.constant 1 : i32
            %swap3A_250 = arith.index_cast %swap3A_249 : i32 to index
            %swap3A_251 = arith.constant 0 : index
            %swap3A_252 = tpu.vector_load %arg11[%swap3A_250, %swap3A_251] {strides = array<i32>} : memref<2x64xi32, #tpu.memory_space<vmem>>, vector<16xi32>,
            tpu.vector_store %arg11[%swap3A_250, %swap3A_251], %add3A_248 {strides = array<i32>} : memref<2x64xi32, #tpu.memory_space<vmem>>, vector<16xi32>,
            %add3A_253 = arith.constant 16 : i32
            %add3A_254 = arith.addi %mul3A_227, %add3A_253 : i32
            %add3A_255 = vector.broadcast %add3A_254 : i32 to vector<16xi32>
            %add3A_256 = arith.addi %add3A_255, %iota3A : vector<16xi32>
            %sub3A_257 = arith.constant 1 : i32
            %sub3A_258 = arith.subi %squeeze3A, %sub3A_257 : i32
            %min3A_259 = vector.broadcast %sub3A_258 : i32 to vector<16xi32>
            %min3A_260 = arith.minsi %add3A_256, %min3A_259 : vector<16xi32>
            %gather3A_261 = tpu.vector_load_idx %arg9[%min3A_260] : memref<16384xi32, #tpu.memory_space<vmem>>[vector<16xi32>], vector<16xi32>,
            %swap3A_262 = arith.constant 1 : i32
            %swap3A_263 = arith.index_cast %swap3A_262 : i32 to index
            %swap3A_264 = arith.constant 16 : index
            %swap3A_265 = tpu.vector_load %arg10[%swap3A_263, %swap3A_264] {strides = array<i32>} : memref<2x64xi32, #tpu.memory_space<vmem>>, vector<16xi32>,
            tpu.vector_store %arg10[%swap3A_263, %swap3A_264], %gather3A_261 {strides = array<i32>} : memref<2x64xi32, #tpu.memory_space<vmem>>, vector<16xi32>,
            %mul3A_266 = arith.constant 8192 : i32
            %mul3A_267 = arith.muli %add3A, %mul3A_266 : i32
            %add3A_268 = arith.addi %gather3A, %min3A_260 : vector<16xi32>
            %and3A_269 = arith.constant 8191 : i32
            %and3A_270 = vector.broadcast %and3A_269 : i32 to vector<16xi32>
            %and3A_271 = arith.andi %add3A_268, %and3A_270 : vector<16xi32>
            %add3A_272 = vector.broadcast %mul3A_267 : i32 to vector<16xi32>
            %add3A_273 = arith.addi %add3A_272, %and3A_271 : vector<16xi32>
            %swap3A_274 = arith.constant 1 : i32
            %swap3A_275 = arith.index_cast %swap3A_274 : i32 to index
            %swap3A_276 = arith.constant 16 : index
            %swap3A_277 = tpu.vector_load %arg11[%swap3A_275, %swap3A_276] {strides = array<i32>} : memref<2x64xi32, #tpu.memory_space<vmem>>, vector<16xi32>,
            tpu.vector_store %arg11[%swap3A_275, %swap3A_276], %add3A_273 {strides = array<i32>} : memref<2x64xi32, #tpu.memory_space<vmem>>, vector<16xi32>,
            %add3A_278 = arith.constant 32 : i32
            %add3A_279 = arith.addi %mul3A_227, %add3A_278 : i32
            %add3A_280 = vector.broadcast %add3A_279 : i32 to vector<16xi32>
            %add3A_281 = arith.addi %add3A_280, %iota3A : vector<16xi32>
            %sub3A_282 = arith.constant 1 : i32
            %sub3A_283 = arith.subi %squeeze3A, %sub3A_282 : i32
            %min3A_284 = vector.broadcast %sub3A_283 : i32 to vector<16xi32>
            %min3A_285 = arith.minsi %add3A_281, %min3A_284 : vector<16xi32>
            %gather3A_286 = tpu.vector_load_idx %arg9[%min3A_285] : memref<16384xi32, #tpu.memory_space<vmem>>[vector<16xi32>], vector<16xi32>,
            %swap3A_287 = arith.constant 1 : i32
            %swap3A_288 = arith.index_cast %swap3A_287 : i32 to index
            %swap3A_289 = arith.constant 32 : index
            %swap3A_290 = tpu.vector_load %arg10[%swap3A_288, %swap3A_289] {strides = array<i32>} : memref<2x64xi32, #tpu.memory_space<vmem>>, vector<16xi32>,
            tpu.vector_store %arg10[%swap3A_288, %swap3A_289], %gather3A_286 {strides = array<i32>} : memref<2x64xi32, #tpu.memory_space<vmem>>, vector<16xi32>,
            %mul3A_291 = arith.constant 8192 : i32
            %mul3A_292 = arith.muli %add3A, %mul3A_291 : i32
            %add3A_293 = arith.addi %gather3A, %min3A_285 : vector<16xi32>
            %and3A_294 = arith.constant 8191 : i32
            %and3A_295 = vector.broadcast %and3A_294 : i32 to vector<16xi32>
            %and3A_296 = arith.andi %add3A_293, %and3A_295 : vector<16xi32>
            %add3A_297 = vector.broadcast %mul3A_292 : i32 to vector<16xi32>
            %add3A_298 = arith.addi %add3A_297, %and3A_296 : vector<16xi32>
            %swap3A_299 = arith.constant 1 : i32
            %swap3A_300 = arith.index_cast %swap3A_299 : i32 to index
            %swap3A_301 = arith.constant 32 : index
            %swap3A_302 = tpu.vector_load %arg11[%swap3A_300, %swap3A_301] {strides = array<i32>} : memref<2x64xi32, #tpu.memory_space<vmem>>, vector<16xi32>,
            tpu.vector_store %arg11[%swap3A_300, %swap3A_301], %add3A_298 {strides = array<i32>} : memref<2x64xi32, #tpu.memory_space<vmem>>, vector<16xi32>,
            %add3A_303 = arith.constant 48 : i32
            %add3A_304 = arith.addi %mul3A_227, %add3A_303 : i32
            %add3A_305 = vector.broadcast %add3A_304 : i32 to vector<16xi32>
            %add3A_306 = arith.addi %add3A_305, %iota3A : vector<16xi32>
            %sub3A_307 = arith.constant 1 : i32
            %sub3A_308 = arith.subi %squeeze3A, %sub3A_307 : i32
            %min3A_309 = vector.broadcast %sub3A_308 : i32 to vector<16xi32>
            %min3A_310 = arith.minsi %add3A_306, %min3A_309 : vector<16xi32>
            %gather3A_311 = tpu.vector_load_idx %arg9[%min3A_310] : memref<16384xi32, #tpu.memory_space<vmem>>[vector<16xi32>], vector<16xi32>,
            %swap3A_312 = arith.constant 1 : i32
            %swap3A_313 = arith.index_cast %swap3A_312 : i32 to index
            %swap3A_314 = arith.constant 48 : index
            %swap3A_315 = tpu.vector_load %arg10[%swap3A_313, %swap3A_314] {strides = array<i32>} : memref<2x64xi32, #tpu.memory_space<vmem>>, vector<16xi32>,
            tpu.vector_store %arg10[%swap3A_313, %swap3A_314], %gather3A_311 {strides = array<i32>} : memref<2x64xi32, #tpu.memory_space<vmem>>, vector<16xi32>,
            %mul3A_316 = arith.constant 8192 : i32
            %mul3A_317 = arith.muli %add3A, %mul3A_316 : i32
            %add3A_318 = arith.addi %gather3A, %min3A_310 : vector<16xi32>
            %and3A_319 = arith.constant 8191 : i32
            %and3A_320 = vector.broadcast %and3A_319 : i32 to vector<16xi32>
            %and3A_321 = arith.andi %add3A_318, %and3A_320 : vector<16xi32>
            %add3A_322 = vector.broadcast %mul3A_317 : i32 to vector<16xi32>
            %add3A_323 = arith.addi %add3A_322, %and3A_321 : vector<16xi32>
            %swap3A_324 = arith.constant 1 : i32
            %swap3A_325 = arith.index_cast %swap3A_324 : i32 to index
            %swap3A_326 = arith.constant 48 : index
            %swap3A_327 = tpu.vector_load %arg11[%swap3A_325, %swap3A_326] {strides = array<i32>} : memref<2x64xi32, #tpu.memory_space<vmem>>, vector<16xi32>,
            tpu.vector_store %arg11[%swap3A_325, %swap3A_326], %add3A_323 {strides = array<i32>} : memref<2x64xi32, #tpu.memory_space<vmem>>, vector<16xi32>,
            %dma_start3A_328 = arith.constant 1 : i32
            %dma_start3A_329 = arith.constant 0 : i32
            %dma_start3A_330 = tpu.memref_slice %arg10[%dma_start3A_328, %dma_start3A_329] : memref<2x64xi32, #tpu.memory_space<vmem>> -> memref<1x64xi32, #tpu.memory_space<vmem>>
            %dma_start3A_331 = tpu.memref_squeeze %dma_start3A_330 : memref<1x64xi32, #tpu.memory_space<vmem>> -> memref<64xi32, #tpu.memory_space<vmem>>
            %dma_start3A_332 = arith.constant 0 : i32
            %dma_start3A_333 = arith.constant 0 : i32
            %dma_start3A_334 = tpu.memref_slice %arg2[%dma_start3A_332, %dma_start3A_333] : memref<16384x128xf32, #tpu.memory_space<hbm>> -> memref<16384x128xf32, #tpu.memory_space<hbm>>
            tpu.enqueue_indirect_dma source(%dma_start3A_334 : memref<16384x128xf32, #tpu.memory_space<hbm>>) target(%arg16 : memref<64x128xf32, #tpu.memory_space<vmem>>) offsets(%dma_start3A_331 : memref<64xi32, #tpu.memory_space<vmem>>) semaphore(%arg24 : memref<!tpu.dma_semaphore, #tpu.memory_space<semaphore_mem>>)
          } else {
          }
          %dma_start3A_210 = arith.constant 0 : i32
          %dma_start3A_211 = arith.constant 0 : i32
          %dma_start3A_212 = tpu.memref_slice %arg11[%dma_start3A_210, %dma_start3A_211] : memref<2x64xi32, #tpu.memory_space<vmem>> -> memref<1x64xi32, #tpu.memory_space<vmem>>
          %dma_start3A_213 = tpu.memref_squeeze %dma_start3A_212 : memref<1x64xi32, #tpu.memory_space<vmem>> -> memref<64xi32, #tpu.memory_space<vmem>>
          %dma_start3A_214 = arith.constant 0 : i32
          %dma_start3A_215 = arith.constant 0 : i32
          %dma_start3A_216 = tpu.memref_slice %arg6[%dma_start3A_214, %dma_start3A_215] : memref<212992x128xf32, #tpu.memory_space<hbm>> -> memref<212992x128xf32, #tpu.memory_space<hbm>>
          tpu.enqueue_indirect_dma source(%arg15 : memref<64x128xf32, #tpu.memory_space<vmem>>) target(%dma_start3A_216 : memref<212992x128xf32, #tpu.memory_space<hbm>>) offsets(%dma_start3A_213 : memref<64xi32, #tpu.memory_space<vmem>>) semaphore(%arg31 : memref<!tpu.dma_semaphore, #tpu.memory_space<semaphore_mem>>)
          %dma_wait3A_217 = arith.constant 0 : i32
          %dma_wait3A_218 = arith.constant 0 : i32
          %dma_wait3A_219 = tpu.memref_slice %arg11[%dma_wait3A_217, %dma_wait3A_218] : memref<2x64xi32, #tpu.memory_space<vmem>> -> memref<1x64xi32, #tpu.memory_space<vmem>>
          %dma_wait3A_220 = tpu.memref_squeeze %dma_wait3A_219 : memref<1x64xi32, #tpu.memory_space<vmem>> -> memref<64xi32, #tpu.memory_space<vmem>>
          %dma_wait3A_221 = arith.constant 0 : i32
          %dma_wait3A_222 = arith.constant 0 : i32
          %dma_wait3A_223 = tpu.memref_slice %arg6[%dma_wait3A_221, %dma_wait3A_222] : memref<212992x128xf32, #tpu.memory_space<hbm>> -> memref<212992x128xf32, #tpu.memory_space<hbm>>
          tpu.wait_indirect_dma semaphore(%arg31 : memref<!tpu.dma_semaphore, #tpu.memory_space<semaphore_mem>>) src(%arg15 : memref<64x128xf32, #tpu.memory_space<vmem>>) dst(%dma_wait3A_223 : memref<212992x128xf32, #tpu.memory_space<hbm>>)
        } else {
        }
        %mul3A_189 = arith.constant 2 : i32
        %mul3A_190 = arith.muli %while3A_180, %mul3A_189 : i32
        %add3A_191 = arith.constant 1 : i32
        %add3A_192 = arith.addi %mul3A_190, %add3A_191 : i32
        %lt3A_193 = arith.cmpi slt, %add3A_192, %select_n3A : i32
        %convert_element_type3A_194 = arith.extui %lt3A_193 : i1 to i32
        %cond3A_195 = arith.constant 0 : i32
        %cond3A_196 = arith.cmpi ne, %convert_element_type3A_194, %cond3A_195 : i32
        scf.if %cond3A_196 {
          %dma_wait3A_197 = arith.constant 1 : i32
          %dma_wait3A_198 = arith.constant 0 : i32
          %dma_wait3A_199 = tpu.memref_slice %arg10[%dma_wait3A_197, %dma_wait3A_198] : memref<2x64xi32, #tpu.memory_space<vmem>> -> memref<1x64xi32, #tpu.memory_space<vmem>>
          %dma_wait3A_200 = tpu.memref_squeeze %dma_wait3A_199 : memref<1x64xi32, #tpu.memory_space<vmem>> -> memref<64xi32, #tpu.memory_space<vmem>>
          %dma_wait3A_201 = arith.constant 0 : i32
          %dma_wait3A_202 = arith.constant 0 : i32
          %dma_wait3A_203 = tpu.memref_slice %arg2[%dma_wait3A_201, %dma_wait3A_202] : memref<16384x128xf32, #tpu.memory_space<hbm>> -> memref<16384x128xf32, #tpu.memory_space<hbm>>
          tpu.wait_indirect_dma semaphore(%arg24 : memref<!tpu.dma_semaphore, #tpu.memory_space<semaphore_mem>>) src(%dma_wait3A_203 : memref<16384x128xf32, #tpu.memory_space<hbm>>) dst(%arg16 : memref<64x128xf32, #tpu.memory_space<vmem>>)
          %add3A_204 = arith.constant 1 : i32
          %add3A_205 = arith.addi %add3A_192, %add3A_204 : i32
          %lt3A_206 = arith.cmpi slt, %add3A_205, %select_n3A : i32
          %convert_element_type3A_207 = arith.extui %lt3A_206 : i1 to i32
          %cond3A_208 = arith.constant 0 : i32
          %cond3A_209 = arith.cmpi ne, %convert_element_type3A_207, %cond3A_208 : i32
          scf.if %cond3A_209 {
            %add3A_224 = arith.constant 1 : i32
            %add3A_225 = arith.addi %add3A_192, %add3A_224 : i32
            %mul3A_226 = arith.constant 64 : i32
            %mul3A_227 = arith.muli %add3A_225, %mul3A_226 : i32
            %add3A_228 = arith.constant 0 : i32
            %add3A_229 = arith.addi %mul3A_227, %add3A_228 : i32
            %add3A_230 = vector.broadcast %add3A_229 : i32 to vector<16xi32>
            %add3A_231 = arith.addi %add3A_230, %iota3A : vector<16xi32>
            %sub3A_232 = arith.constant 1 : i32
            %sub3A_233 = arith.subi %squeeze3A, %sub3A_232 : i32
            %min3A_234 = vector.broadcast %sub3A_233 : i32 to vector<16xi32>
            %min3A_235 = arith.minsi %add3A_231, %min3A_234 : vector<16xi32>
            %gather3A_236 = tpu.vector_load_idx %arg9[%min3A_235] : memref<16384xi32, #tpu.memory_space<vmem>>[vector<16xi32>], vector<16xi32>,
            %swap3A_237 = arith.constant 0 : i32
            %swap3A_238 = arith.index_cast %swap3A_237 : i32 to index
            %swap3A_239 = arith.constant 0 : index
            %swap3A_240 = tpu.vector_load %arg10[%swap3A_238, %swap3A_239] {strides = array<i32>} : memref<2x64xi32, #tpu.memory_space<vmem>>, vector<16xi32>,
            tpu.vector_store %arg10[%swap3A_238, %swap3A_239], %gather3A_236 {strides = array<i32>} : memref<2x64xi32, #tpu.memory_space<vmem>>, vector<16xi32>,
            %mul3A_241 = arith.constant 8192 : i32
            %mul3A_242 = arith.muli %add3A, %mul3A_241 : i32
            %add3A_243 = arith.addi %gather3A, %min3A_235 : vector<16xi32>
            %and3A_244 = arith.constant 8191 : i32
            %and3A_245 = vector.broadcast %and3A_244 : i32 to vector<16xi32>
            %and3A_246 = arith.andi %add3A_243, %and3A_245 : vector<16xi32>
            %add3A_247 = vector.broadcast %mul3A_242 : i32 to vector<16xi32>
            %add3A_248 = arith.addi %add3A_247, %and3A_246 : vector<16xi32>
            %swap3A_249 = arith.constant 0 : i32
            %swap3A_250 = arith.index_cast %swap3A_249 : i32 to index
            %swap3A_251 = arith.constant 0 : index
            %swap3A_252 = tpu.vector_load %arg11[%swap3A_250, %swap3A_251] {strides = array<i32>} : memref<2x64xi32, #tpu.memory_space<vmem>>, vector<16xi32>,
            tpu.vector_store %arg11[%swap3A_250, %swap3A_251], %add3A_248 {strides = array<i32>} : memref<2x64xi32, #tpu.memory_space<vmem>>, vector<16xi32>,
            %add3A_253 = arith.constant 16 : i32
            %add3A_254 = arith.addi %mul3A_227, %add3A_253 : i32
            %add3A_255 = vector.broadcast %add3A_254 : i32 to vector<16xi32>
            %add3A_256 = arith.addi %add3A_255, %iota3A : vector<16xi32>
            %sub3A_257 = arith.constant 1 : i32
            %sub3A_258 = arith.subi %squeeze3A, %sub3A_257 : i32
            %min3A_259 = vector.broadcast %sub3A_258 : i32 to vector<16xi32>
            %min3A_260 = arith.minsi %add3A_256, %min3A_259 : vector<16xi32>
            %gather3A_261 = tpu.vector_load_idx %arg9[%min3A_260] : memref<16384xi32, #tpu.memory_space<vmem>>[vector<16xi32>], vector<16xi32>,
            %swap3A_262 = arith.constant 0 : i32
            %swap3A_263 = arith.index_cast %swap3A_262 : i32 to index
            %swap3A_264 = arith.constant 16 : index
            %swap3A_265 = tpu.vector_load %arg10[%swap3A_263, %swap3A_264] {strides = array<i32>} : memref<2x64xi32, #tpu.memory_space<vmem>>, vector<16xi32>,
            tpu.vector_store %arg10[%swap3A_263, %swap3A_264], %gather3A_261 {strides = array<i32>} : memref<2x64xi32, #tpu.memory_space<vmem>>, vector<16xi32>,
            %mul3A_266 = arith.constant 8192 : i32
            %mul3A_267 = arith.muli %add3A, %mul3A_266 : i32
            %add3A_268 = arith.addi %gather3A, %min3A_260 : vector<16xi32>
            %and3A_269 = arith.constant 8191 : i32
            %and3A_270 = vector.broadcast %and3A_269 : i32 to vector<16xi32>
            %and3A_271 = arith.andi %add3A_268, %and3A_270 : vector<16xi32>
            %add3A_272 = vector.broadcast %mul3A_267 : i32 to vector<16xi32>
            %add3A_273 = arith.addi %add3A_272, %and3A_271 : vector<16xi32>
            %swap3A_274 = arith.constant 0 : i32
            %swap3A_275 = arith.index_cast %swap3A_274 : i32 to index
            %swap3A_276 = arith.constant 16 : index
            %swap3A_277 = tpu.vector_load %arg11[%swap3A_275, %swap3A_276] {strides = array<i32>} : memref<2x64xi32, #tpu.memory_space<vmem>>, vector<16xi32>,
            tpu.vector_store %arg11[%swap3A_275, %swap3A_276], %add3A_273 {strides = array<i32>} : memref<2x64xi32, #tpu.memory_space<vmem>>, vector<16xi32>,
            %add3A_278 = arith.constant 32 : i32
            %add3A_279 = arith.addi %mul3A_227, %add3A_278 : i32
            %add3A_280 = vector.broadcast %add3A_279 : i32 to vector<16xi32>
            %add3A_281 = arith.addi %add3A_280, %iota3A : vector<16xi32>
            %sub3A_282 = arith.constant 1 : i32
            %sub3A_283 = arith.subi %squeeze3A, %sub3A_282 : i32
            %min3A_284 = vector.broadcast %sub3A_283 : i32 to vector<16xi32>
            %min3A_285 = arith.minsi %add3A_281, %min3A_284 : vector<16xi32>
            %gather3A_286 = tpu.vector_load_idx %arg9[%min3A_285] : memref<16384xi32, #tpu.memory_space<vmem>>[vector<16xi32>], vector<16xi32>,
            %swap3A_287 = arith.constant 0 : i32
            %swap3A_288 = arith.index_cast %swap3A_287 : i32 to index
            %swap3A_289 = arith.constant 32 : index
            %swap3A_290 = tpu.vector_load %arg10[%swap3A_288, %swap3A_289] {strides = array<i32>} : memref<2x64xi32, #tpu.memory_space<vmem>>, vector<16xi32>,
            tpu.vector_store %arg10[%swap3A_288, %swap3A_289], %gather3A_286 {strides = array<i32>} : memref<2x64xi32, #tpu.memory_space<vmem>>, vector<16xi32>,
            %mul3A_291 = arith.constant 8192 : i32
            %mul3A_292 = arith.muli %add3A, %mul3A_291 : i32
            %add3A_293 = arith.addi %gather3A, %min3A_285 : vector<16xi32>
            %and3A_294 = arith.constant 8191 : i32
            %and3A_295 = vector.broadcast %and3A_294 : i32 to vector<16xi32>
            %and3A_296 = arith.andi %add3A_293, %and3A_295 : vector<16xi32>
            %add3A_297 = vector.broadcast %mul3A_292 : i32 to vector<16xi32>
            %add3A_298 = arith.addi %add3A_297, %and3A_296 : vector<16xi32>
            %swap3A_299 = arith.constant 0 : i32
            %swap3A_300 = arith.index_cast %swap3A_299 : i32 to index
            %swap3A_301 = arith.constant 32 : index
            %swap3A_302 = tpu.vector_load %arg11[%swap3A_300, %swap3A_301] {strides = array<i32>} : memref<2x64xi32, #tpu.memory_space<vmem>>, vector<16xi32>,
            tpu.vector_store %arg11[%swap3A_300, %swap3A_301], %add3A_298 {strides = array<i32>} : memref<2x64xi32, #tpu.memory_space<vmem>>, vector<16xi32>,
            %add3A_303 = arith.constant 48 : i32
            %add3A_304 = arith.addi %mul3A_227, %add3A_303 : i32
            %add3A_305 = vector.broadcast %add3A_304 : i32 to vector<16xi32>
            %add3A_306 = arith.addi %add3A_305, %iota3A : vector<16xi32>
            %sub3A_307 = arith.constant 1 : i32
            %sub3A_308 = arith.subi %squeeze3A, %sub3A_307 : i32
            %min3A_309 = vector.broadcast %sub3A_308 : i32 to vector<16xi32>
            %min3A_310 = arith.minsi %add3A_306, %min3A_309 : vector<16xi32>
            %gather3A_311 = tpu.vector_load_idx %arg9[%min3A_310] : memref<16384xi32, #tpu.memory_space<vmem>>[vector<16xi32>], vector<16xi32>,
            %swap3A_312 = arith.constant 0 : i32
            %swap3A_313 = arith.index_cast %swap3A_312 : i32 to index
            %swap3A_314 = arith.constant 48 : index
            %swap3A_315 = tpu.vector_load %arg10[%swap3A_313, %swap3A_314] {strides = array<i32>} : memref<2x64xi32, #tpu.memory_space<vmem>>, vector<16xi32>,
            tpu.vector_store %arg10[%swap3A_313, %swap3A_314], %gather3A_311 {strides = array<i32>} : memref<2x64xi32, #tpu.memory_space<vmem>>, vector<16xi32>,
            %mul3A_316 = arith.constant 8192 : i32
            %mul3A_317 = arith.muli %add3A, %mul3A_316 : i32
            %add3A_318 = arith.addi %gather3A, %min3A_310 : vector<16xi32>
            %and3A_319 = arith.constant 8191 : i32
            %and3A_320 = vector.broadcast %and3A_319 : i32 to vector<16xi32>
            %and3A_321 = arith.andi %add3A_318, %and3A_320 : vector<16xi32>
            %add3A_322 = vector.broadcast %mul3A_317 : i32 to vector<16xi32>
            %add3A_323 = arith.addi %add3A_322, %and3A_321 : vector<16xi32>
            %swap3A_324 = arith.constant 0 : i32
            %swap3A_325 = arith.index_cast %swap3A_324 : i32 to index
            %swap3A_326 = arith.constant 48 : index
            %swap3A_327 = tpu.vector_load %arg11[%swap3A_325, %swap3A_326] {strides = array<i32>} : memref<2x64xi32, #tpu.memory_space<vmem>>, vector<16xi32>,
            tpu.vector_store %arg11[%swap3A_325, %swap3A_326], %add3A_323 {strides = array<i32>} : memref<2x64xi32, #tpu.memory_space<vmem>>, vector<16xi32>,
            %dma_start3A_328 = arith.constant 0 : i32
            %dma_start3A_329 = arith.constant 0 : i32
            %dma_start3A_330 = tpu.memref_slice %arg10[%dma_start3A_328, %dma_start3A_329] : memref<2x64xi32, #tpu.memory_space<vmem>> -> memref<1x64xi32, #tpu.memory_space<vmem>>
            %dma_start3A_331 = tpu.memref_squeeze %dma_start3A_330 : memref<1x64xi32, #tpu.memory_space<vmem>> -> memref<64xi32, #tpu.memory_space<vmem>>
            %dma_start3A_332 = arith.constant 0 : i32
            %dma_start3A_333 = arith.constant 0 : i32
            %dma_start3A_334 = tpu.memref_slice %arg2[%dma_start3A_332, %dma_start3A_333] : memref<16384x128xf32, #tpu.memory_space<hbm>> -> memref<16384x128xf32, #tpu.memory_space<hbm>>
            tpu.enqueue_indirect_dma source(%dma_start3A_334 : memref<16384x128xf32, #tpu.memory_space<hbm>>) target(%arg15 : memref<64x128xf32, #tpu.memory_space<vmem>>) offsets(%dma_start3A_331 : memref<64xi32, #tpu.memory_space<vmem>>) semaphore(%arg23 : memref<!tpu.dma_semaphore, #tpu.memory_space<semaphore_mem>>)
          } else {
          }
          %dma_start3A_210 = arith.constant 1 : i32
          %dma_start3A_211 = arith.constant 0 : i32
          %dma_start3A_212 = tpu.memref_slice %arg11[%dma_start3A_210, %dma_start3A_211] : memref<2x64xi32, #tpu.memory_space<vmem>> -> memref<1x64xi32, #tpu.memory_space<vmem>>
          %dma_start3A_213 = tpu.memref_squeeze %dma_start3A_212 : memref<1x64xi32, #tpu.memory_space<vmem>> -> memref<64xi32, #tpu.memory_space<vmem>>
          %dma_start3A_214 = arith.constant 0 : i32
          %dma_start3A_215 = arith.constant 0 : i32
          %dma_start3A_216 = tpu.memref_slice %arg6[%dma_start3A_214, %dma_start3A_215] : memref<212992x128xf32, #tpu.memory_space<hbm>> -> memref<212992x128xf32, #tpu.memory_space<hbm>>
          tpu.enqueue_indirect_dma source(%arg16 : memref<64x128xf32, #tpu.memory_space<vmem>>) target(%dma_start3A_216 : memref<212992x128xf32, #tpu.memory_space<hbm>>) offsets(%dma_start3A_213 : memref<64xi32, #tpu.memory_space<vmem>>) semaphore(%arg32 : memref<!tpu.dma_semaphore, #tpu.memory_space<semaphore_mem>>)
          %dma_wait3A_217 = arith.constant 1 : i32
          %dma_wait3A_218 = arith.constant 0 : i32
          %dma_wait3A_219 = tpu.memref_slice %arg11[%dma_wait3A_217, %dma_wait3A_218] : memref<2x64xi32, #tpu.memory_space<vmem>> -> memref<1x64xi32, #tpu.memory_space<vmem>>
          %dma_wait3A_220 = tpu.memref_squeeze %dma_wait3A_219 : memref<1x64xi32, #tpu.memory_space<vmem>> -> memref<64xi32, #tpu.memory_space<vmem>>
          %dma_wait3A_221 = arith.constant 0 : i32
          %dma_wait3A_222 = arith.constant 0 : i32
          %dma_wait3A_223 = tpu.memref_slice %arg6[%dma_wait3A_221, %dma_wait3A_222] : memref<212992x128xf32, #tpu.memory_space<hbm>> -> memref<212992x128xf32, #tpu.memory_space<hbm>>
          tpu.wait_indirect_dma semaphore(%arg32 : memref<!tpu.dma_semaphore, #tpu.memory_space<semaphore_mem>>) src(%arg16 : memref<64x128xf32, #tpu.memory_space<vmem>>) dst(%dma_wait3A_223 : memref<212992x128xf32, #tpu.memory_space<hbm>>)
        } else {
        }
      }
    } else {
    }
    return
  }
}

</mosaic_0001>

<sc_bundles>
// kernel: kernel.3.cloned.1.call-start
scs
__scs_entry_jumppad:
0x0: {  	(pc) =	sbr.rel $0x88, $3  }
0x1: {  	(tag) =	ssettag $0x0;
	lr =	simm.s32 $0x1  }
0x2: {  	[smem:$0x3F9D] =	sst lr;
	_ =	strace $0xD0000000  }
0x3: {  	_ = 	snop  }
0x4: {  	_ = 	snop  }
0x5: {  	_ = 	snop  }
0x6: {  	_ = 	snop  }
0x7: {  	_ = 	snop  }
__scs_overlays_trampoline_lowered:
0x8: {  	[smem:$0x3FAC] =	sst s0  }
0x9: {  	[smem:$0x3FAD] =	sst s1  }
0xa: {  	[smem:$0x3FAE] =	sst s2  }
0xb: {  	[smem:$0x3FAF] =	sst s3  }
0xc: {  	[smem:$0x3FB0] =	sst s4  }
0xd: {  	[smem:$0x3FB1] =	sst s5  }
0xe: {  	[smem:$0x3FB2] =	sst s6  }
0xf: {  	[smem:$0x3FB3] =	sst s7  }
0x10: {  	[smem:$0x3FB4] =	sst s8  }
0x11: {  	[smem:$0x3FB5] =	sst s9;
	s0 =	simm.s32 @!p0 $0x0  }
0x12: {  	s1 =	sld [smem:$0x3F9B];
	s0 =	simm.s32 @p0 $0x1  }
0x13: {  	[smem:$0x3FB6] =	sst s0;
	s0 =	simm.s32 @!p1 $0x0  }
0x14: {  	s2 =	sld [smem:$0x3F9A];
	s0 =	simm.s32 @p1 $0x1  }
0x15: {  	[smem:$0x3FB7] =	sst s0;
	s0 =	simm.s32 @!p2 $0x0  }
0x16: {  	s3 =	sld [smem:$0x3FDB];
	s0 =	simm.s32 @p2 $0x1  }
0x17: {  	s4 =	simm.s32 $0x1BF5;
	[smem:$0x3FB9] =	sst s0  }
0x18: {  	s0 =	sld [smem:$0x3F9C];
	_ =	swait.ge [sflag:s4], $0x0  }
0x19: {  	s7 =	sld [smem:$0x3F9D]  }
0x1a: {  	s8 =	sadd.s32 $0xFFFFE003, lr  }
0x1b: {  	s9 =	sadd.s32 $0xFFFFFEF7, lr;
	s5 =	simm.s32 $0xFFFFFFFF;
	p2 =	slt.u32 s8, $0xFFFFF086  }
0x1c: {  	p1 =	slt.u32 s9, $0xF7A;
	s5 =	simm.s32 @!p2 $0x0  }
0x1d: {  	s5 =	simm.s32 @p1 $0x1;
	p0 =	seq.s32 s7, s2  }
0x1e: {  	s7 =	smul.u32 @!p0 $0xF7A, s2;
	p2 =	seq.s32 @!p0 s5, $0x0  }
0x1f: {  	s9 =	smul.u32 $0xF7A, s1;
	s8 =	simm.s32 @!p0 $0x1BF5;
	p2 =	por !p2, p0  }
0x20: {  	[sflag:s8] =	ssyncset.s32 @!p0 $0xFFFFF086;
	s6 =	sadd.s32 @!p0 s3, s7;
	s7 =	simm.s32 @!p0 $0x108  }
0x21: {  	s3 =	sadd.s32 s3, s9;
	s6 =	sadd.s32 @!p0 $0x88, s6;
	s7 =	simm.s32 @p2 $0x1082  }
0x22: {  	[simem:s7], [sflag:s8] =	dma.local @!p0 [hbm:s6], $0xF7A  }
0x23: {  	s9 =	sor.u32 $0xD0000000, s2;
	s6 =	simm.s32 $0x108;
	_ =	swait.ge @!p0 [sflag:s8], $0x0  }
0x24: {  	s3 =	sadd.s32 $0x88, s3;
	s6 =	simm.s32 @!p1 $0x1082;
	[sflag:s4] =	ssyncset.s32 $0xFFFFF086  }
0x25: {  	[simem:s6], [sflag:s4] =	dma.local [hbm:s3], $0xF7A  }
0x26: {  	[smem:$0x3F9D] =	sst s1;
	(tag) =	ssettag s2;
	_ =	strace s9  }
0x27: {  	s1 =	sld [smem:$0x3FAD]  }
0x28: {  	s2 =	sld [smem:$0x3FAE]  }
0x29: {  	s4 =	sld [smem:$0x3FB0]  }
0x2a: {  	p0 =	seq.s32 s5, $0x0;
	s5 =	sld [smem:$0x3FB1]  }
0x2b: {  	s6 =	sld [smem:$0x3FB2]  }
0x2c: {  	s7 =	sld [smem:$0x3FB3]  }
0x2d: {  	s3 =	simm.s32 $0x108;
	s8 =	sld [smem:$0x3FB4]  }
0x2e: {  	s3 =	simm.s32 @!p0 $0x1082;
	s9 =	sld [smem:$0x3FB5]  }
0x2f: {  	lr =	sadd.s32 s0, s3;
	s0 =	sld [smem:$0x3FAC]  }
0x30: {  	s3 =	sld [smem:$0x3FAF]  }
0x31: {  	[smem:$0x3FB8] =	sst s10  }
0x32: {  	s10 =	sld [smem:$0x3FB6];
	_ =	sdelay $0x3  }
0x33: {  	p0 =	seq.s32 s10, $0x1;
	s10 =	sld [smem:$0x3FB8];
	_ =	sdelay $0x3  }
0x34: {  	[smem:$0x3FB8] =	sst s10  }
0x35: {  	s10 =	sld [smem:$0x3FB7];
	_ =	sdelay $0x3  }
0x36: {  	p1 =	seq.s32 s10, $0x1;
	s10 =	sld [smem:$0x3FB8];
	_ =	sdelay $0x3  }
0x37: {  	[smem:$0x3FB8] =	sst s10  }
0x38: {  	s10 =	sld [smem:$0x3FB9]  }
0x39: {  	_ = 	snop;
	(pc) =	sbr.ind lr, $3  }
0x3a: {  	_ = 	snop  }
0x3b: {  	_ = 	snop  }
0x3c: {  	p2 =	seq.s32 s10, $0x1;
	s10 =	sld [smem:$0x3FB8]  }
0x3d: {  	_ =	shalt  }
0x3e: {  	_ =	shalt  }
0x3f: {  	_ =	shalt  }
0x40: {  	_ =	shalt  }
0x41: {  	_ =	shalt  }
0x42: {  	_ =	shalt  }
0x43: {  	_ =	shalt  }
0x44: {  	_ =	shalt  }
0x45: {  	_ =	shalt  }
0x46: {  	_ =	shalt  }
0x47: {  	_ =	shalt  }
0x48: {  	_ =	shalt  }
0x49: {  	_ =	shalt  }
0x4a: {  	_ =	shalt  }
0x4b: {  	_ =	shalt  }
0x4c: {  	_ =	shalt  }
0x4d: {  	_ =	shalt  }
0x4e: {  	_ =	shalt  }
0x4f: {  	_ =	shalt  }
0x50: {  	_ =	shalt  }
0x51: {  	_ =	shalt  }
0x52: {  	_ =	shalt  }
0x53: {  	_ =	shalt  }
0x54: {  	_ =	shalt  }
0x55: {  	_ =	shalt  }
0x56: {  	_ =	shalt  }
0x57: {  	_ =	shalt  }
0x58: {  	_ =	shalt  }
0x59: {  	_ =	shalt  }
0x5a: {  	_ =	shalt  }
0x5b: {  	_ =	shalt  }
0x5c: {  	_ =	shalt  }
0x5d: {  	_ =	shalt  }
0x5e: {  	_ =	shalt  }
0x5f: {  	_ =	shalt  }
0x60: {  	_ =	shalt  }
0x61: {  	_ =	shalt  }
0x62: {  	_ =	shalt  }
0x63: {  	_ =	shalt  }
0x64: {  	_ =	shalt  }
0x65: {  	_ =	shalt  }
0x66: {  	_ =	shalt  }
0x67: {  	_ =	shalt  }
0x68: {  	_ =	shalt  }
0x69: {  	_ =	shalt  }
0x6a: {  	_ =	shalt  }
0x6b: {  	_ =	shalt  }
0x6c: {  	_ =	shalt  }
0x6d: {  	_ =	shalt  }
0x6e: {  	_ =	shalt  }
0x6f: {  	_ =	shalt  }
0x70: {  	_ =	shalt  }
0x71: {  	_ =	shalt  }
0x72: {  	_ =	shalt  }
0x73: {  	_ =	shalt  }
0x74: {  	_ =	shalt  }
0x75: {  	_ =	shalt  }
0x76: {  	_ =	shalt  }
0x77: {  	_ =	shalt  }
0x78: {  	_ =	shalt  }
0x79: {  	_ =	shalt  }
0x7a: {  	_ =	shalt  }
0x7b: {  	_ =	shalt  }
0x7c: {  	_ =	shalt  }
0x7d: {  	_ =	shalt  }
0x7e: {  	_ =	shalt  }
0x7f: {  	_ =	shalt  }
0x80: {  	_ =	shalt  }
0x81: {  	_ =	shalt  }
0x82: {  	_ =	shalt  }
0x83: {  	_ =	shalt  }
0x84: {  	_ =	shalt  }
0x85: {  	_ =	shalt  }
0x86: {  	_ =	shalt  }
0x87: {  	_ =	shalt  }
.Lfunc_end0:
.L_simem_size_0:
called_computation_lowered:
.L_overlay_start_0:
0x88: {  	s2 =	sld [smem:$0x3FD9]  }
0x89: {  	s3 =	sld [smem:$0x3FFE];
	_ =	sdelay $0x1  }
0x8a: {  	s1 =	srdreg.scid  }
0x8b: {  	s0 =	sand.u32 $0x1, s1  }
0x8c: {  	s14 =	sshll.u32 s0, $0xA;
	s2 =	sadd.s32 s3, s2  }
0x8d: {  	s2 =	sadd.s32 s2, s14  }
0x8e: {  	[smem:$0x3FC4] =	sst s2  }
0x8f: {  	_ = 	snop  }
0x90: {  	s2 =	sld [smem:$0x3FD0]  }
0x91: {  	s15 =	sld [smem:$0x3FC9]  }
0x92: {  	s4 =	sld [smem:$0x3FC8]  }
0x93: {  	s6 =	simm.s32 $0xA;
	s7 =	simm.s32 $0x10;
	s5 =	sld [smem:$0x3FC7]  }
0x94: {  	[smem:s7], [sflag:s6] =	dma.local [hbm:s2], $0x1  }
0x95: {  	_ =	swait.eq [sflag:s6], $0x1  }
0x96: {  	[sflag:s6] =	ssyncset.done $0x0  }
0x97: {  	s16 =	sld [smem:$0x10];
	[sflag:s6] =	ssyncadd.s32 $0xFFFFFFFF  }
0x98: {  	s17 =	sld [smem:$0x11];
	(tm) =	ssettm $0x1  }
0x99: {  	s18 =	sld [smem:$0x3FFB];
	_ =	sdelay $0x3  }
0x9a: {  	_ =	strace s18  }
0x9b: {  	s7 =	sld [smem:$0x3FFC];
	_ =	sdelay $0x3  }
0x9c: {  	_ =	strace s7  }
0x9d: {  	s7 =	sld [smem:$0x3FFD];
	_ =	sdelay $0x3  }
0x9e: {  	_ =	strace s7  }
0x9f: {  	_ =	strace $0x8FFFFFFF  }
0xa0: {  	s19 =	sld [smem:$0x3FDB];
	_ =	sdelay $0x1  }
0xa1: {  	s8 =	simm.s32 $_scs_section_size  }
0xa2: {  	s9 =	simm.s32 $_size__tile_overlayer_lowered;
	s10 =	simm.s32 $_tile_overlayer_lowered  }
0xa3: {  	s22 =	simm.s32 $0x1BFF;
	s21 =	sshll.u32 s10, $0x1;
	s7 =	sadd.s32 s8, s19  }
0xa4: {  	s11 =	simm.s32 $0x0;
	s20 =	sshll.u32 s9, $0x1;
	s9 =	sadd.s32 s21, s7  }
0xa5: {  	[timem:s11], [sflag:s22] =	dma.local [hbm:s9], s20  }
0xa6: {  	_ =	swait.ge [sflag:s22], s20  }
0xa7: {  	s8 =	ssub.s32 $0x0, s20;
	[sflag:s22] =	ssyncset.done $0x0  }
0xa8: {  	[sflag:s22] =	ssyncadd.s32 s8;
	_ =	sdelay $0x1  }
0xa9: {  	s23 =	simm.s32 $0x1B8B  }
0xaa: {  	_ =	swait.ge [sflag:s23], $0x1  }
0xab: {  	[sflag:s23] =	ssyncset.done $0x0  }
0xac: {  	s25 =	simm.s32 $0x1B8E;
	s24 =	sld [smem:$0x3FFE];
	[sflag:s23] =	ssyncadd.s32 $0xFFFFFFFF  }
0xad: {  	s26 =	simm.s32 $execute0_lowered;
	[smem:$0x3FD2] =	sst s25  }
0xae: {  	s9 =	sshll.u32 s26, $0x1;
	_ =	strace $0x80000046;
	[dreg:$0x1] =	wrdreg $0xFFFFFFFF  }
0xaf: {  	s28 =	simm.s32 $_size_execute0_lowered;
	s7 =	sadd.s32 s7, s9;
	[dreg:$0x0] =	wrdreg $0x0  }
0xb0: {  	s9 =	sshll.u32 s28, $0x1;
	[dreg:$0x2] =	wrdreg s7  }
0xb1: {  	[dreg:$0x3] =	wrdreg s9  }
0xb2: {  	[dreg:$0x4] =	wrdreg $0xC0  }
0xb3: {  	_ =	task [dreg:s11], $0x5FFFF  }
0xb4: {  	[dreg:$0x1] =	wrdreg $0xFFFFFFFF  }
0xb5: {  	[dreg:$0x0] =	wrdreg $0x60  }
0xb6: {  	[dreg:$0x2] =	wrdreg s15  }
0xb7: {  	[dreg:$0x3] =	wrdreg s4  }
0xb8: {  	[dreg:$0x4] =	wrdreg s17  }
0xb9: {  	[dreg:$0x5] =	wrdreg s5  }
0xba: {  	[dreg:$0x6] =	wrdreg s16  }
0xbb: {  	[dreg:$0x7] =	wrdreg s24  }
0xbc: {  	[dreg:$0x8] =	wrdreg $0x9  }
0xbd: {  	_ =	task.clear_ibuf [dreg:s11], $0x9FFFF;
	_ =	strace $0x90000046  }
0xbe: {  	s29 =	simm.s32 $0x9;
	_ =	strace $0x80000048  }
0xbf: {  	_ =	swait.ge [sflag:s29], $0x1  }
0xc0: {  	[sflag:s29] =	ssyncadd.s32 $0xFFFFFFFF  }
0xc1: {  	_ =	strace $0x90000048  }
0xc2: {  	_ =	sfence  }
0xc3: {  	s30 =	sld [smem:$0x0];
	_ =	sdelay $0x2  }
0xc4: {  	s31 =	sshll.u32 s1, $0xD;
	s1 =	sshrl.u32 s1, $0x2  }
0xc5: {  	s3 =	sand.u32 $0x4000, s31;
	s1 =	sadd.s32 s1, s30  }
0xc6: {  	s0 =	sor.u32 s3, s0;
	s1 =	sshll.u32 s1, $0x11  }
0xc7: {  	s0 =	sor.u32 s1, s0  }
0xc8: {  	s0 =	sadd.s32 $0x8F2B, s0  }
0xc9: {  	[sflag:s0] =	ssyncadd.remote.s32 $0x1  }
0xca: {  	_ =	sfence.sel $0xFFFF  }
0xcb: {  	[dreg:$0x0] =	wrdreg $0xFFFFFFFF;
	(pc) =	sbr.abs _section_cstart, $3  }
0xcc: {  	[dreg:$0x1] =	wrdreg $0xFFFFFFFF  }
0xcd: {  	_ =	task.clear_ibuf [dreg:s11], $0x2FFFF;
	_ =	strace $0x9FFFFFFF  }
0xce: {  	(tm) =	ssettm $0x7FFFFFFF  }
0xcf: {  	_ =	shalt  }
tec
execute0_lowered:
.L_overlay_start_1:
0x0: {  	(tag) =	ssettag $0x1  }
0x1: {  	s1 =	rddreg [dreg:$0x0]  }
0x2: {  	s4 =	rddreg [dreg:$0x3]  }
0x3: {  	s5 =	rddreg [dreg:$0x4]  }
0x4: {  	s0 =	rddreg [dreg:$0x5];
	s7 =	simm.s32 $0x0  }
0x5: {  	s2 =	srdreg.scid;
	s11 =	stileid.u32;
	s31 =	simm.s32 $0x2  }
0x6: {  	s13 =	simm.s32 $0x6;
	s14 =	simm.s32 $0xA;
	s16 =	simm.s32 $0x7  }
0x7: {  	s29 =	simm.s32 $0x16380;
	[smem:$0x7FF] =	sst s7;
	s2 =	sand.u32 $0x1, s2  }
0x8: {  	s3 =	sshll.u32 s11, $0x1;
	s6 =	sshll.u32 s11, $0x9;
	s21 =	sadd.s32 $0x400, s4  }
0x9: {  	s22 =	sadd.s32 $0x800, s4;
	_ =	strace $0x80000047;
	[dreg:$0xb] =	wrdreg s21  }
0xa: {  	s24 =	sadd.s32 $0xC00, s4;
	s25 =	sadd.s32 $0x400, s5;
	[dreg:$0xc] =	wrdreg s22  }
0xb: {  	s26 =	sadd.s32 $0x800, s5;
	s28 =	sadd.s32 $0xC00, s5;
	[dreg:$0xf] =	wrdreg s24  }
0xc: {  	p0 =	sgt.u32 s11, $0xC;
	s8 =	sor.u32 s2, s3;
	[dreg:$0x11] =	wrdreg s25  }
0xd: {  	s17 =	ssub.s32 $0x2, s2;
	s2 =	sshll.u32 s2, $0xD;
	[dreg:$0x12] =	wrdreg s26  }
0xe: {  	[dreg:$0x13] =	wrdreg s28;
	s3 =	simm.s32 $0x4;
	s6 =	sor.u32 s6, s2  }
0xf: {  	s9 =	sshll.u32 s8, $0x4;
	s10 =	sshrl.u32 s17, $0x1;
	s19 =	sshll.u32 s6, $0x4  }
0x10: {  	s30 =	sshll.u32 s8, $0xD;
	s0 =	sadd.s32 s9, s0;
	s20 =	sadd.s32 s4, s19  }
0x11: {  	s18 =	ssub.s32 s17, s10;
	s9 =	sadd.s32 s19, s21;
	[dreg:$0xa] =	wrdreg s20  }
0x12: {  	s10 =	simm.s32 $0x5;
	s23 =	sadd.s32 s19, s22;
	[dreg:$0xd] =	wrdreg s9  }
0x13: {  	s0 =	sadd.s32 $0x400, s0;
	s2 =	smax.u32 s18, $0x1;
	[dreg:$0xe] =	wrdreg s23  }
.Ltmp0:
0x14: {  	s21 =	simm.s32 $0xB;
	[dreg:$0x14] =	wrdreg s0;
	(pc) =	sbr.rel .LBB2_1-.Ltmp0, $4  }
0x15: {  	s22 =	simm.s32 $0x8;
	s9 =	sadd.s32 s19, s24;
	[dreg:$0x15] =	wrdreg s2  }
0x16: {  	s0 =	smov.u32 s6;
	s2 =	smov.u32 s19;
	[dreg:$0x10] =	wrdreg s9  }
0x17: {  	v3 =	vlaneseq.u32;
	v0 =	vmov s8;
	s6 =	simm.s32 $0x3;
	s23 =	simm.s32 $0x9;
	[dreg:$0x8] =	wrdreg s0  }
0x18: {  	v4 =	vimm.s32 $0x0;
	v1 =	vmov s30;
	v2 =	vmin.u32 v0, $0x19;
	s24 =	simm.s32 $0xC;
	s9 =	simm.s32 $0x0;
	[dreg:$0x9] =	wrdreg s2  }
.LBB2_14:
0x19: {  	[bflag:$0x0] =	sbarrier.arrive $0xFFFF  }
0x1a: {  	s9 =	rddreg [dreg:$0x16]  }
.LBB2_15:
0x1b: {  	s9 =	sadd.s32 $0x1, s9;
	s8 =	rddreg [dreg:$0x15]  }
0x1c: {  	p1 =	sne.s32 s9, s8  }
.Ltmp1:
0x1d: {  	_ = 	snop;
	(pc) =	sbr.rel @!p1 .LBB2_16-.Ltmp1, $1  }
0x1e: {  	_ =	sdelay $0x3  }
.LBB2_1:
0x1f: {  	[dreg:$0x16] =	wrdreg s9  }
0x20: {  	s8 =	rddreg [dreg:$0x1];
	s12 =	simm.s32 $0x11  }
0x21: {  	[tilespmem:s7], [sflag:$0x11] =	stream.linear.gather [hbm4b:s8+s7], $0x4000, $0x38;
	[tilespmem:$0x18380] =	vst v63  }
0x22: {  	_ =	swait.ge [sflag:s12], $0x4000  }
0x23: {  	[sflag:s12] =	ssyncset.done $0x0  }
0x24: {  	[sflag:s12] =	ssyncadd.s32 $0xFFFFC000  }
0x25: {  	s15 =	simm.s32 $0x8200;
	s11 =	rddreg [dreg:$0x2]  }
0x26: {  	[tilespmem:s15], [sflag:$0x11] =	stream.linear.gather [hbm4b:s11+s7], $0x80, $0x38;
	[tilespmem:$0x18380] =	vst v63  }
0x27: {  	_ =	swait.ge [sflag:s12], $0x80  }
0x28: {  	[sflag:s12] =	ssyncset.done $0x0  }
0x29: {  	s18 =	simm.s32 $0x8380;
	s17 =	rddreg [dreg:$0xa];
	[sflag:s12] =	ssyncadd.s32 $0xFFFFFF80  }
0x2a: {  	v5 =	vld.idx.msk [tilespmem:v2+s15+$0x0], $0xffff;
	[tilespmem:s18], [sflag:$0x1] =	stream.linear.gather [hbm4b:s17+s7], $0x2000, $0x38  }
0x2b: {  	s20 =	simm.s32 $0xA380;
	s19 =	rddreg [dreg:$0xd]  }
0x2c: {  	[tilespmem:s20], [sflag:$0x2] =	stream.linear.gather [hbm4b:s19+s7], $0x2000, $0x38;
	[tilespmem:$0x18380] =	vst v63  }
.Ltmp2:
0x2d: {  	s26 =	simm.s32 $0xC380;
	(pc) =	sbr.rel .LBB2_2-.Ltmp2, $4  }
0x2e: {  	s30 =	simm.s32 $0xE380;
	s8 =	simm.s32 $0x0;
	s25 =	rddreg [dreg:$0xe]  }
0x2f: {  	[tilespmem:s26], [sflag:$0x3] =	stream.linear.gather [hbm4b:s25+s7], $0x2000, $0x38;
	[tilespmem:$0x18380] =	vst v63  }
0x30: {  	s28 =	rddreg [dreg:$0x10];
	s26 =	simm.s32 $0x0;
	s25 =	simm.s32 $0x0  }
0x31: {  	[tilespmem:s30], [sflag:$0x4] =	stream.linear.gather [hbm4b:s28+s7], $0x2000, $0x38;
	[tilespmem:$0x18380] =	vst v63  }
.LBB2_5:
0x32: {  	_ =	sdelay $0x7  }
0x33: {  	s9 =	spop (v2sf)  }
0x34: {  	s26 =	sadd.s32 s26, s9  }
.LBB2_6:
0x35: {  	s12 =	simm.s32 $0x1  }
0x36: {  	s9 =	sshll.u32 s25, $0x12;
	s15 =	simm.s32 $0x8380;
	_ =	swait.ge [sflag:s12], $0x2000  }
0x37: {  	p1 =	seq.s32 s25, $0x0;
	s9 =	sor.u32 s2, s9;
	[sflag:s12] =	ssyncset.done $0x0  }
0x38: {  	s18 =	sadd.s32 s5, s9;
	[sflag:s12] =	ssyncadd.s32 $0xFFFFE000;
	s12 =	simm.s32 @!p1 $0xD  }
0x39: {  	[hbm4b:s18+s7] =	stream.linear.scatter [tilespmem:s15], [sflag:$0x9], $0x2000, $0x38;
	[tilespmem:$0x18380] =	vst v63  }
0x3a: {  	_ =	swait.ge @!p1 [sflag:s12], $0x2000  }
0x3b: {  	s15 =	sor.u32 $0x1000, s9;
	[sflag:s12] =	ssyncset.done @!p1 $0x0  }
0x3c: {  	s28 =	simm.s32 $0x10380;
	s19 =	sadd.s32 s4, s15;
	[sflag:s12] =	ssyncadd.s32 @!p1 $0xFFFFE000  }
0x3d: {  	[tilespmem:s28], [sflag:$0x5] =	stream.linear.gather [hbm4b:s19+s7], $0x2000, $0x38;
	[tilespmem:$0x18380] =	vst v63  }
0x3e: {  	_ =	swait.ge [sflag:s31], $0x2000  }
0x3f: {  	[sflag:s31] =	ssyncset.done $0x0;
	s20 =	rddreg [dreg:$0x11]  }
0x40: {  	s17 =	simm.s32 $0xA380;
	[sflag:s31] =	ssyncadd.s32 $0xFFFFE000;
	s12 =	sadd.s32 s9, s20  }
0x41: {  	[hbm4b:s12+s7] =	stream.linear.scatter [tilespmem:s17], [sflag:$0xA], $0x2000, $0x38;
	[tilespmem:$0x18380] =	vst v63  }
0x42: {  	s12 =	simm.s32 @!p1 $0xE  }
0x43: {  	_ =	swait.ge @!p1 [sflag:s12], $0x2000  }
0x44: {  	s17 =	sor.u32 $0x1400, s9;
	[sflag:s12] =	ssyncset.done @!p1 $0x0  }
0x45: {  	s20 =	simm.s32 $0x12380;
	s30 =	sadd.s32 s4, s17;
	[sflag:s12] =	ssyncadd.s32 @!p1 $0xFFFFE000  }
0x46: {  	[tilespmem:s20], [sflag:$0x6] =	stream.linear.gather [hbm4b:s30+s7], $0x2000, $0x38;
	[tilespmem:$0x18380] =	vst v63  }
0x47: {  	_ =	swait.ge [sflag:s6], $0x2000  }
0x48: {  	[sflag:s6] =	ssyncset.done $0x0;
	s18 =	rddreg [dreg:$0x12]  }
0x49: {  	[sflag:s6] =	ssyncadd.s32 $0xFFFFE000;
	s12 =	sadd.s32 s9, s18;
	s18 =	simm.s32 $0xC380  }
0x4a: {  	[hbm4b:s12+s7] =	stream.linear.scatter [tilespmem:s18], [sflag:$0xB], $0x2000, $0x38;
	[tilespmem:$0x18380] =	vst v63  }
0x4b: {  	s12 =	simm.s32 @!p1 $0xF  }
0x4c: {  	_ =	swait.ge @!p1 [sflag:s12], $0x2000  }
0x4d: {  	s18 =	sor.u32 $0x1800, s9;
	[sflag:s12] =	ssyncset.done @!p1 $0x0  }
0x4e: {  	s30 =	simm.s32 $0x14380;
	s19 =	sadd.s32 s4, s18;
	[sflag:s12] =	ssyncadd.s32 @!p1 $0xFFFFE000  }
0x4f: {  	[tilespmem:s30], [sflag:$0x7] =	stream.linear.gather [hbm4b:s19+s7], $0x2000, $0x38;
	[tilespmem:$0x18380] =	vst v63  }
0x50: {  	_ =	swait.ge [sflag:s3], $0x2000  }
0x51: {  	[sflag:s3] =	ssyncset.done $0x0;
	s19 =	rddreg [dreg:$0x13]  }
0x52: {  	[sflag:s3] =	ssyncadd.s32 $0xFFFFE000;
	s12 =	sadd.s32 s9, s19;
	s19 =	simm.s32 $0xE380  }
0x53: {  	[hbm4b:s12+s7] =	stream.linear.scatter [tilespmem:s19], [sflag:$0xC], $0x2000, $0x38;
	[tilespmem:$0x18380] =	vst v63  }
0x54: {  	s12 =	simm.s32 @!p1 $0x10  }
0x55: {  	_ =	swait.ge @!p1 [sflag:s12], $0x2000  }
0x56: {  	s9 =	sor.u32 $0x1C00, s9;
	[sflag:s12] =	ssyncset.done @!p1 $0x0  }
0x57: {  	s19 =	sadd.s32 s4, s9;
	[sflag:s12] =	ssyncadd.s32 @!p1 $0xFFFFE000  }
0x58: {  	[tilespmem:s29], [sflag:$0x8] =	stream.linear.gather [hbm4b:s19+s7], $0x2000, $0x38;
	[tilespmem:$0x18380] =	vst v63  }
0x59: {  	_ =	swait.ge [sflag:s10], $0x2000  }
0x5a: {  	p1 =	seq.s32 s25, $0xC;
	s19 =	sadd.s32 s5, s15;
	[sflag:s10] =	ssyncset.done $0x0  }
0x5b: {  	s12 =	sshll.u32 @!p1 s11, $0x12;
	s15 =	sshll.u32 @!p1 s0, $0x4;
	[sflag:s10] =	ssyncadd.s32 $0xFFFFE000  }
0x5c: {  	[hbm4b:s19+s7] =	stream.linear.scatter [tilespmem:s28], [sflag:$0xD], $0x2000, $0x38;
	[tilespmem:$0x18380] =	vst v63  }
0x5d: {  	s25 =	sor.u32 @!p1 s15, s12;
	_ =	swait.ge [sflag:s23], $0x2000  }
0x5e: {  	s25 =	sadd.s32 @!p1 s4, s25;
	[sflag:s23] =	ssyncset.done $0x0  }
0x5f: {  	s28 =	simm.s32 @!p1 $0x0;
	s19 =	simm.s32 @!p1 $0x8380;
	[sflag:s23] =	ssyncadd.s32 $0xFFFFE000  }
0x60: {  	[tilespmem:s19], [sflag:$0x1] =	stream.linear.gather @!p1 [hbm4b:s25+s28], $0x2000, $0x38;
	[tilespmem:$0x18380] =	vst v63  }
0x61: {  	_ =	swait.ge [sflag:s13], $0x2000  }
0x62: {  	[sflag:s13] =	ssyncset.done $0x0  }
0x63: {  	s17 =	sadd.s32 s5, s17;
	[sflag:s13] =	ssyncadd.s32 $0xFFFFE000  }
0x64: {  	[hbm4b:s17+s7] =	stream.linear.scatter [tilespmem:s20], [sflag:$0xE], $0x2000, $0x38;
	[tilespmem:$0x18380] =	vst v63  }
0x65: {  	s12 =	sand.u32 @!p1 $0x1FFC0000, s12;
	_ =	swait.ge [sflag:s14], $0x2000  }
0x66: {  	s12 =	sor.u32 @!p1 s15, s12;
	[sflag:s14] =	ssyncset.done $0x0;
	s15 =	rddreg [dreg:$0xb]  }
0x67: {  	s17 =	simm.s32 @!p1 $0xA380;
	[sflag:s14] =	ssyncadd.s32 $0xFFFFE000;
	s15 =	sadd.s32 @!p1 s12, s15  }
0x68: {  	[tilespmem:s17], [sflag:$0x2] =	stream.linear.gather @!p1 [hbm4b:s15+s28], $0x2000, $0x38;
	[tilespmem:$0x18380] =	vst v63  }
0x69: {  	_ =	swait.ge [sflag:s16], $0x2000  }
0x6a: {  	[sflag:s16] =	ssyncset.done $0x0  }
0x6b: {  	s25 =	sadd.s32 s5, s18;
	[sflag:s16] =	ssyncadd.s32 $0xFFFFE000  }
0x6c: {  	[hbm4b:s25+s7] =	stream.linear.scatter [tilespmem:s30], [sflag:$0xF], $0x2000, $0x38;
	[tilespmem:$0x18380] =	vst v63  }
0x6d: {  	_ =	swait.ge [sflag:s21], $0x2000  }
0x6e: {  	[sflag:s21] =	ssyncset.done $0x0;
	s15 =	rddreg [dreg:$0xc]  }
0x6f: {  	s17 =	simm.s32 @!p1 $0xC380;
	[sflag:s21] =	ssyncadd.s32 $0xFFFFE000;
	s15 =	sadd.s32 @!p1 s12, s15  }
0x70: {  	[tilespmem:s17], [sflag:$0x3] =	stream.linear.gather @!p1 [hbm4b:s15+s28], $0x2000, $0x38;
	[tilespmem:$0x18380] =	vst v63  }
0x71: {  	_ =	swait.ge [sflag:s22], $0x2000  }
0x72: {  	p2 =	sne.s32 @!p1 s11, $0xD;
	[sflag:s22] =	ssyncset.done $0x0  }
0x73: {  	s9 =	sadd.s32 s5, s9;
	p2 =	por p1, !p2;
	[sflag:s22] =	ssyncadd.s32 $0xFFFFE000  }
0x74: {  	[hbm4b:s9+s7] =	stream.linear.scatter [tilespmem:s29], [sflag:$0x10], $0x2000, $0x38;
	[tilespmem:$0x18380] =	vst v63  }
.Ltmp3:
0x75: {  	_ = 	snop;
	(pc) =	sbr.rel @p2 .LBB2_7-.Ltmp3, $4  }
0x76: {  	s8 =	sadd.s32 @!p1 $0x400, s8;
	_ =	swait.ge [sflag:s24], $0x2000  }
0x77: {  	s25 =	smov.u32 s11;
	[sflag:s24] =	ssyncset.done $0x0;
	s9 =	rddreg [dreg:$0xf]  }
0x78: {  	[sflag:s24] =	ssyncadd.s32 $0xFFFFE000;
	s9 =	sadd.s32 @!p1 s12, s9;
	s12 =	simm.s32 @!p1 $0xE380  }
0x79: {  	[tilespmem:s12], [sflag:$0x4] =	stream.linear.gather @!p1 [hbm4b:s9+s28], $0x2000, $0x38;
	[tilespmem:$0x18380] =	vst v63  }
.LBB2_2:
0x7a: {  	s9 =	sshll.u32 s25, $0xA;
	s11 =	sadd.s32 $0x1, s25  }
0x7b: {  	s9 =	sand.u32 $0xFC00, s9;
	s12 =	sshll.u32 s11, $0xA  }
0x7c: {  	s9 =	smul.u32 $0x4EC5, s9;
	s12 =	sand.u32 $0xFC00, s12  }
0x7d: {  	s12 =	smul.u32 $0x4EC5, s12;
	_ =	sdelay $0x1  }
0x7e: {  	s15 =	sshrl.u32 s9, $0x12;
	s9 =	sshrl.u32 s12, $0x12  }
0x7f: {  	p1 =	sge.u32 s15, s9  }
.Ltmp4:
0x80: {  	_ = 	snop;
	(pc) =	sbr.rel @p1 .LBB2_6-.Ltmp4, $1  }
0x81: {  	_ =	sdelay $0x3  }
0x82: {  	s12 =	smulhi.u32 $0x4EC4EC4F, s8;
	_ =	sdelay $0x1  }
0x83: {  	s12 =	sshll.u32 s12, $0x2  }
0x84: {  	s17 =	sand.u32 $0x3FFFFFF0, s12  }
0x85: {  	v6 =	vld [tilespmem:s17+$0x0];
	_ =	sdelay $0x4  }
0x86: {  	vm0 =	veq.s32 v6, v0  }
0x87: {  	v6 =	vsel vm0, $0x1, v4  }
0x88: {  	(xrf0) =	vadd.scan.msk.s32 $0xffff, v6;
	_ =	sdelay $0x5  }
0x89: {  	v6, _, _ =	vpop (xrf0)  }
0x8a: {  	s15 =	sadd.s32 $0x1, s15;
	(v2sf) =	vpush v6, $0xF  }
0x8b: {  	p1 =	slt.u32 s15, s9  }
.Ltmp5:
0x8c: {  	_ = 	snop;
	(pc) =	sbr.rel @!p1 .LBB2_5-.Ltmp5, $4  }
0x8d: {  	_ = 	snop  }
0x8e: {  	s12 =	sand.u32 $0xFFFFFFF0, s12  }
0x8f: {  	v7 =	vor.u32 s12, v3  }
0x90: {  	s17 =	sadd.s32 $0x10, s17;
	[tilespmem:s26+$0x4000] =	vst.msk vm0, v7  }
.LBB2_4:
0x91: {  	v6 =	vld [tilespmem:s17+$0x0];
	s15 =	sadd.s32 $0x1, s15  }
0x92: {  	p1 =	slt.u32 s15, s9;
	_ =	sdelay $0x3  }
0x93: {  	vm0 =	veq.s32 v6, v0  }
0x94: {  	v6 =	vsel vm0, $0x1, v4  }
0x95: {  	(xrf0) =	vadd.scan.msk.s32 $0xffff, v6;
	_ =	sdelay $0x3  }
.Ltmp6:
0x96: {  	(pc) =	sbr.rel @p1 .LBB2_4-.Ltmp6, $4  }
0x97: {  	_ = 	snop  }
0x98: {  	s12 =	sadd.s32 $0x10, s12;
	v6, _, _ =	vpop (xrf0);
	s18 =	spop (v2sf)  }
0x99: {  	v7 =	vor.u32 s12, v3;
	(v2sf) =	vpush v6, $0xF;
	s26 =	sadd.s32 s26, s18  }
0x9a: {  	s17 =	sadd.s32 $0x10, s17;
	[tilespmem:s26+$0x4000] =	vst.msk vm0, v7  }
.Ltmp7:
0x9b: {  	_ = 	snop;
	(pc) =	sbr.rel .LBB2_5-.Ltmp7, $1  }
0x9c: {  	_ =	sdelay $0x3  }
.LBB2_7:
0x9d: {  	s8 =	simm.s32 $0xD  }
0x9e: {  	_ =	swait.ge [sflag:s8], $0x2000  }
0x9f: {  	[sflag:s8] =	ssyncset.done $0x0  }
0xa0: {  	s25 =	simm.s32 $0xE;
	[sflag:s8] =	ssyncadd.s32 $0xFFFFE000  }
0xa1: {  	_ =	swait.ge [sflag:s25], $0x2000  }
0xa2: {  	[sflag:s25] =	ssyncset.done $0x0  }
0xa3: {  	s28 =	simm.s32 $0xF;
	[sflag:s25] =	ssyncadd.s32 $0xFFFFE000  }
0xa4: {  	_ =	swait.ge [sflag:s28], $0x2000  }
0xa5: {  	[sflag:s28] =	ssyncset.done $0x0  }
.Ltmp8:
0xa6: {  	s30 =	simm.s32 $0x10;
	[sflag:s28] =	ssyncadd.s32 $0xFFFFE000;
	(pc) =	sbr.rel @p0 .LBB2_14-.Ltmp8, $4  }
0xa7: {  	_ =	swait.ge [sflag:s30], $0x2000  }
0xa8: {  	[sflag:s30] =	ssyncset.done $0x0  }
0xa9: {  	v6 =	vmov s26;
	[sflag:s30] =	ssyncadd.s32 $0xFFFFE000  }
0xaa: {  	[tilespmem:$0x8300] =	vst v6  }
0xab: {  	s8 =	sadd.s32 $0x3F, s26  }
0xac: {  	s9 =	sand.u32 $0x3F, s8  }
0xad: {  	s11 =	sshra.s32 s8, $0x1F;
	p1 =	slt.s32 s8, $0x1;
	p2 =	sne.s32 s9, $0x0  }
0xae: {  	s15 =	sshrl.u32 s11, $0x1A;
	p1 =	por !p1, !p2  }
0xaf: {  	s9 =	simm.s32 $0x1;
	s8 =	sadd.s32 s15, s8;
	p1 =	por !p1, !p1  }
0xb0: {  	s8 =	sshra.s32 s8, $0x6;
	s9 =	simm.s32 @!p1 $0x0  }
0xb1: {  	s25 =	ssub.s32 s8, s9  }
0xb2: {  	p1 =	slt.s32 s25, $0x1  }
0xb3: {  	v6 =	vadd.s32 v5, v6;
	s8 =	sadd.s32 @!p1 $0xFFFFFFFF, s26  }
0xb4: {  	v6 =	vand.u32 $0x1FFF, v6;
	v8 =	vlaneseq.u32 @!p1;
	v7 =	vmov @!p1 s8  }
0xb5: {  	s17 =	rddreg [dreg:$0x14];
	s18 =	simm.s32 $0x8280;
	s19 =	simm.s32 $0x11;
	[tilespmem:$0x8280] =	vst v6;
	vm0 =	vlt.s32 @!p1 v7, v8  }
0xb6: {  	[hbm4b:s17+s7] =	stream.linear.scatter [tilespmem:s18], [sflag:$0x11], $0x80, $0x38;
	v6 =	vsel @!p1 vm0, s8, v8;
	[tilespmem:$0x18380] =	vst v63  }
0xb7: {  	_ =	swait.ge [sflag:s19], $0x80  }
0xb8: {  	[sflag:s19] =	ssyncset.done $0x0  }
0xb9: {  	[sflag:s19] =	ssyncadd.s32 $0xFFFFFF80  }
0xba: {  	[bflag:$0x0] =	sbarrier.arrive $0xFFFF;
	s9 =	simm.s32 @!p1 $0x4000;
	v10 =	vor.u32 @!p1 $0x10, v8  }
0xbb: {  	vm0 =	vlt.s32 @!p1 v7, v10;
	v9 =	vld.idx.msk @!p1 [tilespmem:v6+s9+$0x0], $0xffff  }
0xbc: {  	v10 =	vsel @!p1 vm0, s8, v10;
	v6 =	vadd.s32 @!p1 v5, v6  }
0xbd: {  	v6 =	vand.u32 @!p1 $0x1FFF, v6  }
0xbe: {  	v6 =	vor.u32 @!p1 v1, v6  }
0xbf: {  	[tilespmem:$0x8100] =	vst @!p1 v6  }
0xc0: {  	[tilespmem:$0x8000] =	vst @!p1 v9  }
0xc1: {  	v9 =	vor.u32 @!p1 $0x20, v8;
	v6 =	vld.idx.msk @!p1 [tilespmem:v10+s9+$0x0], $0xffff  }
0xc2: {  	vm0 =	vlt.s32 @!p1 v7, v9  }
0xc3: {  	v9 =	vsel @!p1 vm0, s8, v9  }
0xc4: {  	v10 =	vadd.s32 @!p1 v5, v10  }
0xc5: {  	v10 =	vand.u32 @!p1 $0x1FFF, v10  }
0xc6: {  	[tilespmem:$0x8010] =	vst @!p1 v6;
	v6 =	vor.u32 @!p1 v1, v10  }
0xc7: {  	[tilespmem:$0x8110] =	vst @!p1 v6  }
0xc8: {  	v8 =	vor.u32 @!p1 $0x30, v8;
	v6 =	vld.idx.msk @!p1 [tilespmem:v9+s9+$0x0], $0xffff  }
0xc9: {  	vm0 =	vlt.s32 @!p1 v7, v8  }
0xca: {  	v7 =	vsel @!p1 vm0, s8, v8  }
0xcb: {  	v8 =	vadd.s32 @!p1 v5, v9  }
0xcc: {  	v8 =	vand.u32 @!p1 $0x1FFF, v8  }
0xcd: {  	[tilespmem:$0x8020] =	vst @!p1 v6;
	v6 =	vor.u32 @!p1 v1, v8  }
0xce: {  	[tilespmem:$0x8120] =	vst @!p1 v6  }
0xcf: {  	v6 =	vld.idx.msk @!p1 [tilespmem:v7+s9+$0x0], $0xffff;
	_ =	sdelay $0x2  }
0xd0: {  	v7 =	vadd.s32 @!p1 v5, v7  }
0xd1: {  	s20 =	sadd.s32 $0x1, s25;
	v7 =	vand.u32 @!p1 $0x1FFF, v7  }
0xd2: {  	p5 =	slt.s32 s25, $0x0;
	s11 =	simm.s32 @!p1 $0x8380;
	s28 =	sand.u32 $0x1, s20;
	[tilespmem:$0x8030] =	vst @!p1 v6;
	v6 =	vor.u32 @!p1 v1, v7  }
0xd3: {  	p6 =	seq.s32 s28, $0x1;
	s8 =	simm.s32 @!p1 $0x40;
	s9 =	simm.s32 @!p1 $0x8000;
	[tilespmem:$0x8130] =	vst @!p1 v6  }
0xd4: {  	[tilespmem:s11], [sflag:$0x1] =	stream.indirect.gather @!p1 [hbm4b:s1+s8], $0x80, s9, s8, $0xb8;
	[tilespmem:$0x18380] =	vst v63  }
0xd5: {  	s30 =	sshrl.u32 s20, $0x1F;
	p1 =	por !p5, !p6  }
0xd6: {  	s8 =	sadd.s32 s30, s20;
	s9 =	simm.s32 $0x1;
	p1 =	por !p1, !p1  }
0xd7: {  	s8 =	sshra.s32 s8, $0x1;
	s9 =	simm.s32 @!p1 $0x0  }
0xd8: {  	s8 =	ssub.s32 s8, s9  }
0xd9: {  	p1 =	slt.s32 s8, $0x1  }
.Ltmp9:
0xda: {  	_ = 	snop;
	(pc) =	sbr.rel @p1 .LBB2_15-.Ltmp9, $2  }
0xdb: {  	_ =	sdelay $0x2  }
0xdc: {  	s9 =	rddreg [dreg:$0x16]  }
0xdd: {  	s8 =	sadd.s32 $0xFFFFFFFF, s8  }
0xde: {  	p1 =	sle.s32 s25, $0x0;
	p4 =	seq.s32 s8, $0x0  }
.Ltmp10:
0xdf: {  	p2 =	sle.s32 @!p1 s25, $0x1;
	(pc) =	sbr.rel @p4 .LBB2_10-.Ltmp10, $4  }
0xe0: {  	s9 =	sadd.s32 $0xFFFFFFFF, s25;
	s30 =	sadd.s32 $0xFFFFFFFF, s26;
	p2 =	por p2, p1  }
0xe1: {  	s26 =	simm.s32 $0xB0;
	s11 =	simm.s32 @!p2 $0x40;
	v7 =	vlaneseq.u32 @!p2;
	s12 =	simm.s32 @!p2 $0x50  }
0xe2: {  	s28 =	simm.s32 $0x2;
	[dreg:$0x7] =	wrdreg s9;
	v6 =	vmov s30;
	s9 =	simm.s32 @!p2 $0x60;
	v10 =	vor.u32 @!p2 s11, v7;
	v9 =	vor.u32 @!p2 s12, v7  }
0xe3: {  	p3 =	por $0x0, $0x0;
	s11 =	simm.s32 $0x0;
	v8 =	vor.u32 @!p2 s9, v7;
	s9 =	simm.s32 @!p2 $0x70;
	vm1 =	vlt.s32 @!p2 v10, v6;
	vm0 =	vlt.s32 @!p2 v9, v6  }
0xe4: {  	v10 =	vsel @!p2 vm1, v10, v6  }
0xe5: {  	s11 =	simm.s32 @!p1 $0x1  }
0xe6: {  	_ =	swait.ge @!p1 [sflag:s11], $0x2000  }
0xe7: {  	[sflag:s11] =	ssyncset.done @!p1 $0x0  }
0xe8: {  	[sflag:s11] =	ssyncadd.s32 @!p1 $0xFFFFE000;
	s11 =	simm.s32 @!p2 $0x4000  }
0xe9: {  	v11 =	vld.idx.msk @!p2 [tilespmem:v10+s11+$0x0], $0xffff  }
0xea: {  	v9 =	vsel @!p2 vm0, v9, v6;
	v10 =	vadd.s32 @!p2 v5, v10  }
0xeb: {  	v10 =	vand.u32 @!p2 $0x1FFF, v10  }
0xec: {  	v10 =	vor.u32 @!p2 v1, v10  }
0xed: {  	[tilespmem:$0x8180] =	vst @!p2 v10  }
0xee: {  	[tilespmem:$0x8080] =	vst @!p2 v11  }
0xef: {  	vm0 =	vlt.s32 @!p2 v8, v6;
	v10 =	vld.idx.msk @!p2 [tilespmem:v9+s11+$0x0], $0xffff  }
0xf0: {  	v8 =	vsel @!p2 vm0, v8, v6;
	v9 =	vadd.s32 @!p2 v5, v9  }
0xf1: {  	v9 =	vand.u32 @!p2 $0x1FFF, v9  }
0xf2: {  	v9 =	vor.u32 @!p2 v1, v9  }
0xf3: {  	[tilespmem:$0x8190] =	vst @!p2 v9  }
0xf4: {  	v7 =	vor.u32 @!p2 s9, v7;
	[tilespmem:$0x8090] =	vst @!p2 v10  }
0xf5: {  	vm0 =	vlt.s32 @!p2 v7, v6;
	v9 =	vld.idx.msk @!p2 [tilespmem:v8+s11+$0x0], $0xffff  }
0xf6: {  	v7 =	vsel @!p2 vm0, v7, v6;
	v8 =	vadd.s32 @!p2 v5, v8  }
0xf7: {  	v8 =	vand.u32 @!p2 $0x1FFF, v8  }
0xf8: {  	v8 =	vor.u32 @!p2 v1, v8  }
0xf9: {  	[tilespmem:$0x81A0] =	vst @!p2 v8  }
0xfa: {  	[tilespmem:$0x80A0] =	vst @!p2 v9  }
0xfb: {  	v8 =	vld.idx.msk @!p2 [tilespmem:v7+s11+$0x0], $0xffff  }
0xfc: {  	v7 =	vadd.s32 @!p2 v5, v7  }
0xfd: {  	v7 =	vand.u32 @!p2 $0x1FFF, v7  }
0xfe: {  	v7 =	vor.u32 @!p2 v1, v7  }
0xff: {  	s9 =	simm.s32 @!p1 $0x9;
	[tilespmem:$0x81B0] =	vst @!p2 v7  }
0x100: {  	s12 =	simm.s32 @!p2 $0x8080;
	s15 =	simm.s32 @!p2 $0xA380;
	s11 =	simm.s32 @!p2 $0x40;
	[tilespmem:$0x80B0] =	vst @!p2 v8  }
0x101: {  	[tilespmem:s15], [sflag:$0x2] =	stream.indirect.gather @!p2 [hbm4b:s1+s11], $0x80, s12, s11, $0xb8;
	[tilespmem:$0x18380] =	vst v63  }
0x102: {  	s11 =	simm.s32 @!p1 $0x40;
	s12 =	simm.s32 @!p1 $0x8100;
	s15 =	simm.s32 @!p1 $0x8380  }
0x103: {  	[hbm4b:s5+s11] =	stream.indirect.scatter @!p1 [tilespmem:s15], [sflag:$0x9], $0x80, s12, s11, $0xb8;
	[tilespmem:$0x18380] =	vst v63  }
0x104: {  	_ =	swait.ge @!p1 [sflag:s9], $0x2000  }
0x105: {  	s30 =	rddreg [dreg:$0x7]  }
0x106: {  	p4 =	sle.s32 s30, $0x0  }
0x107: {  	p2 =	sle.s32 @!p4 s25, $0x2  }
0x108: {  	p3 =	por p2, p4  }
0x109: {  	s11 =	simm.s32 @!p3 $0x80;
	v7 =	vlaneseq.u32 @!p3  }
0x10a: {  	v8 =	vor.u32 @!p3 s11, v7  }
0x10b: {  	vm0 =	vlt.s32 @!p3 v8, v6  }
0x10c: {  	[sflag:s9] =	ssyncset.done @!p1 $0x0;
	v8 =	vsel @!p3 vm0, v8, v6  }
0x10d: {  	[sflag:s9] =	ssyncadd.s32 @!p1 $0xFFFFE000;
	s9 =	simm.s32 @!p4 $0x2  }
0x10e: {  	_ =	swait.ge @!p4 [sflag:s9], $0x2000  }
0x10f: {  	[sflag:s9] =	ssyncset.done @!p4 $0x0;
	s11 =	simm.s32 @!p3 $0x90  }
0x110: {  	[sflag:s9] =	ssyncadd.s32 @!p4 $0xFFFFE000;
	s9 =	simm.s32 @!p3 $0x4000;
	v9 =	vor.u32 @!p3 s11, v7  }
0x111: {  	vm0 =	vlt.s32 @!p3 v9, v6;
	v10 =	vld.idx.msk @!p3 [tilespmem:v8+s9+$0x0], $0xffff  }
0x112: {  	v9 =	vsel @!p3 vm0, v9, v6;
	v8 =	vadd.s32 @!p3 v5, v8  }
0x113: {  	v8 =	vand.u32 @!p3 $0x1FFF, v8  }
0x114: {  	v8 =	vor.u32 @!p3 v1, v8  }
0x115: {  	s11 =	simm.s32 @!p3 $0xA0;
	[tilespmem:$0x8100] =	vst @!p3 v8  }
0x116: {  	v8 =	vor.u32 @!p3 s11, v7;
	[tilespmem:$0x8000] =	vst @!p3 v10  }
0x117: {  	vm0 =	vlt.s32 @!p3 v8, v6;
	v10 =	vld.idx.msk @!p3 [tilespmem:v9+s9+$0x0], $0xffff  }
0x118: {  	v8 =	vsel @!p3 vm0, v8, v6;
	v9 =	vadd.s32 @!p3 v5, v9  }
0x119: {  	v9 =	vand.u32 @!p3 $0x1FFF, v9  }
0x11a: {  	v9 =	vor.u32 @!p3 v1, v9  }
0x11b: {  	[tilespmem:$0x8110] =	vst @!p3 v9  }
0x11c: {  	v7 =	vor.u32 @!p3 s26, v7;
	[tilespmem:$0x8010] =	vst @!p3 v10  }
0x11d: {  	vm0 =	vlt.s32 @!p3 v7, v6;
	v9 =	vld.idx.msk @!p3 [tilespmem:v8+s9+$0x0], $0xffff  }
0x11e: {  	v7 =	vsel @!p3 vm0, v7, v6;
	v8 =	vadd.s32 @!p3 v5, v8  }
0x11f: {  	v8 =	vand.u32 @!p3 $0x1FFF, v8  }
0x120: {  	v8 =	vor.u32 @!p3 v1, v8  }
0x121: {  	[tilespmem:$0x8120] =	vst @!p3 v8  }
0x122: {  	[tilespmem:$0x8020] =	vst @!p3 v9  }
0x123: {  	v8 =	vld.idx.msk @!p3 [tilespmem:v7+s9+$0x0], $0xffff  }
0x124: {  	s8 =	sadd.s32 $0xFFFFFFFF, s8;
	s28 =	simm.s32 $0x4;
	p1 =	sle.s32 s25, $0x2;
	v7 =	vadd.s32 @!p3 v5, v7  }
0x125: {  	p5 =	seq.s32 s8, $0x0;
	s12 =	simm.s32 @!p4 $0xA;
	p2 =	sle.s32 @!p1 s25, $0x3;
	v7 =	vand.u32 @!p3 $0x1FFF, v7  }
0x126: {  	p2 =	por p2, p1;
	s15 =	simm.s32 @!p3 $0x40;
	s17 =	simm.s32 @!p3 $0x8000;
	v7 =	vor.u32 @!p3 v1, v7  }
.Ltmp11:
0x127: {  	s18 =	simm.s32 @!p2 $0xC0;
	s19 =	simm.s32 @!p2 $0xD0;
	[tilespmem:$0x8130] =	vst @!p3 v7;
	(pc) =	sbr.rel @p5 .LBB2_13-.Ltmp11, $4  }
0x128: {  	s11 =	simm.s32 $0x2;
	s26 =	simm.s32 $0x130;
	s9 =	simm.s32 @!p3 $0x8380;
	[tilespmem:$0x8030] =	vst @!p3 v8  }
0x129: {  	v7 =	vlaneseq.u32 @!p2;
	[tilespmem:s9], [sflag:$0x1] =	stream.indirect.gather @!p3 [hbm4b:s1+s15], $0x80, s17, s15, $0xb8;
	[tilespmem:$0x18380] =	vst v63  }
0x12a: {  	v10 =	vor.u32 @!p2 s18, v7;
	v9 =	vor.u32 @!p2 s19, v7;
	s18 =	simm.s32 @!p4 $0x40;
	s15 =	simm.s32 @!p4 $0x8180;
	s9 =	simm.s32 @!p2 $0xE0  }
0x12b: {  	vm1 =	vlt.s32 @!p2 v10, v6;
	vm0 =	vlt.s32 @!p2 v9, v6;
	s17 =	simm.s32 @!p4 $0xA380;
	p3 =	por $0x1, $0x1;
	v8 =	vor.u32 @!p2 s9, v7;
	s9 =	simm.s32 @!p2 $0xF0  }
.LBB2_12:
0x12c: {  	[hbm4b:s5+s18] =	stream.indirect.scatter @!p4 [tilespmem:s17], [sflag:$0xA], $0x80, s15, s18, $0xb8;
	[tilespmem:$0x18380] =	vst v63  }
0x12d: {  	_ =	swait.ge @!p4 [sflag:s12], $0x2000  }
0x12e: {  	v10 =	vsel @!p2 vm1, v10, v6;
	[sflag:s12] =	ssyncset.done @!p4 $0x0  }
0x12f: {  	s15 =	simm.s32 @!p1 $0x1;
	[sflag:s12] =	ssyncadd.s32 @!p4 $0xFFFFE000  }
0x130: {  	_ =	swait.ge @!p1 [sflag:s15], $0x2000  }
0x131: {  	[sflag:s15] =	ssyncset.done @!p1 $0x0  }
0x132: {  	s12 =	simm.s32 @!p2 $0x4000;
	[sflag:s15] =	ssyncadd.s32 @!p1 $0xFFFFE000  }
0x133: {  	v11 =	vadd.s32 @!p2 v5, v10;
	v10 =	vld.idx.msk @!p2 [tilespmem:v10+s12+$0x0], $0xffff  }
0x134: {  	v9 =	vsel @!p2 vm0, v9, v6  }
0x135: {  	v11 =	vand.u32 @!p2 $0x1FFF, v11  }
0x136: {  	v11 =	vor.u32 @!p2 v1, v11  }
0x137: {  	[tilespmem:$0x8180] =	vst @!p2 v11  }
0x138: {  	[tilespmem:$0x8080] =	vst @!p2 v10  }
0x139: {  	vm0 =	vlt.s32 @!p2 v8, v6;
	v12 =	vadd.s32 @!p2 v5, v9;
	v9 =	vld.idx.msk @!p2 [tilespmem:v9+s12+$0x0], $0xffff  }
0x13a: {  	v8 =	vsel @!p2 vm0, v8, v6  }
0x13b: {  	v12 =	vand.u32 @!p2 $0x1FFF, v12  }
0x13c: {  	v11 =	vor.u32 @!p2 v1, v12  }
0x13d: {  	[tilespmem:$0x8190] =	vst @!p2 v11  }
0x13e: {  	v7 =	vor.u32 @!p2 s9, v7;
	[tilespmem:$0x8090] =	vst @!p2 v9  }
0x13f: {  	vm0 =	vlt.s32 @!p2 v7, v6;
	v10 =	vadd.s32 @!p2 v5, v8;
	v8 =	vld.idx.msk @!p2 [tilespmem:v8+s12+$0x0], $0xffff  }
0x140: {  	v7 =	vsel @!p2 vm0, v7, v6  }
0x141: {  	v10 =	vand.u32 @!p2 $0x1FFF, v10  }
0x142: {  	v10 =	vor.u32 @!p2 v1, v10  }
0x143: {  	[tilespmem:$0x81A0] =	vst @!p2 v10  }
0x144: {  	[tilespmem:$0x80A0] =	vst @!p2 v8  }
0x145: {  	v9 =	vadd.s32 @!p2 v5, v7;
	v7 =	vld.idx.msk @!p2 [tilespmem:v7+s12+$0x0], $0xffff;
	_ =	sdelay $0x1  }
0x146: {  	v9 =	vand.u32 @!p2 $0x1FFF, v9  }
0x147: {  	v9 =	vor.u32 @!p2 v1, v9  }
0x148: {  	s9 =	simm.s32 @!p1 $0x9;
	[tilespmem:$0x81B0] =	vst @!p2 v9  }
0x149: {  	s17 =	simm.s32 @!p2 $0xA380;
	s15 =	simm.s32 @!p2 $0x8080;
	s12 =	simm.s32 @!p2 $0x40;
	[tilespmem:$0x80B0] =	vst @!p2 v7  }
0x14a: {  	[tilespmem:s17], [sflag:$0x2] =	stream.indirect.gather @!p2 [hbm4b:s1+s12], $0x80, s15, s12, $0xb8;
	[tilespmem:$0x18380] =	vst v63  }
0x14b: {  	s12 =	simm.s32 @!p1 $0x40;
	s15 =	simm.s32 @!p1 $0x8100;
	s17 =	simm.s32 @!p1 $0x8380  }
0x14c: {  	[hbm4b:s5+s12] =	stream.indirect.scatter @!p1 [tilespmem:s17], [sflag:$0x9], $0x80, s15, s12, $0xb8;
	[tilespmem:$0x18380] =	vst v63  }
0x14d: {  	_ =	swait.ge @!p1 [sflag:s9], $0x2000  }
0x14e: {  	s30 =	rddreg [dreg:$0x7]  }
0x14f: {  	[sflag:s9] =	ssyncset.done @!p1 $0x0;
	p4 =	sge.s32 s11, s30  }
0x150: {  	[sflag:s9] =	ssyncadd.s32 @!p1 $0xFFFFE000;
	p1 =	sge.s32 @!p4 s28, s25  }
0x151: {  	p6 =	por p1, p4  }
0x152: {  	s11 =	sadd.s32 @!p6 $0xFFFFFFD0, s26;
	v7 =	vlaneseq.u32 @!p6  }
0x153: {  	v8 =	vor.u32 @!p6 s11, v7  }
0x154: {  	vm0 =	vlt.s32 @!p6 v8, v6  }
0x155: {  	v8 =	vsel @!p6 vm0, v8, v6  }
0x156: {  	s9 =	simm.s32 @!p4 $0x2  }
0x157: {  	_ =	swait.ge @!p4 [sflag:s9], $0x2000  }
0x158: {  	s12 =	sadd.s32 @!p6 $0xFFFFFFE0, s26;
	[sflag:s9] =	ssyncset.done @!p4 $0x0  }
0x159: {  	v9 =	vor.u32 @!p6 s12, v7;
	[sflag:s9] =	ssyncadd.s32 @!p4 $0xFFFFE000;
	s9 =	simm.s32 @!p6 $0x4000  }
0x15a: {  	vm1 =	vlt.s32 @!p6 v9, v6;
	v11 =	vadd.s32 @!p6 v5, v8;
	v8 =	vld.idx.msk @!p6 [tilespmem:v8+s9+$0x0], $0xffff  }
0x15b: {  	v9 =	vsel @!p6 vm1, v9, v6  }
0x15c: {  	v11 =	vand.u32 @!p6 $0x1FFF, v11  }
0x15d: {  	v11 =	vor.u32 @!p6 v1, v11  }
0x15e: {  	s15 =	sadd.s32 @!p6 $0xFFFFFFF0, s26;
	[tilespmem:$0x8100] =	vst @!p6 v11  }
0x15f: {  	v10 =	vor.u32 @!p6 s15, v7;
	[tilespmem:$0x8000] =	vst @!p6 v8  }
0x160: {  	vm2 =	vlt.s32 @!p6 v10, v6;
	v8 =	vld.idx.msk @!p6 [tilespmem:v9+s9+$0x0], $0xffff  }
0x161: {  	v10 =	vsel @!p6 vm2, v10, v6;
	v12 =	vadd.s32 @!p6 v5, v9  }
0x162: {  	v12 =	vand.u32 @!p6 $0x1FFF, v12  }
0x163: {  	v12 =	vor.u32 @!p6 v1, v12  }
0x164: {  	[tilespmem:$0x8110] =	vst @!p6 v12  }
0x165: {  	v7 =	vor.u32 @!p6 s26, v7;
	[tilespmem:$0x8010] =	vst @!p6 v8  }
0x166: {  	vm0 =	vlt.s32 @!p6 v7, v6;
	v8 =	vld.idx.msk @!p6 [tilespmem:v10+s9+$0x0], $0xffff  }
0x167: {  	v13 =	vadd.s32 @!p6 v5, v10;
	v7 =	vsel @!p6 vm0, v7, v6  }
0x168: {  	v13 =	vand.u32 @!p6 $0x1FFF, v13  }
0x169: {  	v13 =	vor.u32 @!p6 v1, v13  }
0x16a: {  	[tilespmem:$0x8120] =	vst @!p6 v13  }
0x16b: {  	s28 =	sadd.s32 $0x2, s28;
	[tilespmem:$0x8020] =	vst @!p6 v8  }
0x16c: {  	s8 =	sadd.s32 $0xFFFFFFFF, s8;
	s11 =	sadd.s32 $0xFFFFFFFE, s28;
	v8 =	vld.idx.msk @!p6 [tilespmem:v7+s9+$0x0], $0xffff  }
0x16d: {  	p5 =	seq.s32 s8, $0x0;
	s17 =	simm.s32 @!p4 $0xA380;
	p1 =	sge.s32 s11, s25;
	v14 =	vadd.s32 @!p6 v5, v7  }
0x16e: {  	s18 =	simm.s32 @!p4 $0x40;
	s19 =	simm.s32 @!p6 $0x40;
	v14 =	vand.u32 @!p6 $0x1FFF, v14;
	s9 =	sadd.s32 @!p1 $0xFFFFFFFF, s28  }
.Ltmp12:
0x16f: {  	s30 =	simm.s32 @!p6 $0x8000;
	v7 =	vor.u32 @!p6 v1, v14;
	p2 =	sge.s32 @!p1 s9, s25;
	(pc) =	sbr.rel @!p5 .LBB2_12-.Ltmp12, $4  }
0x170: {  	s26 =	sadd.s32 $0x80, s26;
	[tilespmem:$0x8130] =	vst @!p6 v7;
	s9 =	simm.s32 @!p6 $0x8380;
	p2 =	por p2, p1  }
0x171: {  	s0 =	sadd.s32 @!p2 $0xFFFFFF90, s26;
	v7 =	vlaneseq.u32 @!p2;
	s2 =	sadd.s32 @!p2 $0xFFFFFFA0, s26;
	s20 =	sadd.s32 @!p2 $0xFFFFFFB0, s26;
	[tilespmem:$0x8030] =	vst @!p6 v8  }
0x172: {  	v10 =	vor.u32 @!p2 s0, v7;
	v9 =	vor.u32 @!p2 s2, v7;
	[tilespmem:s9], [sflag:$0x1] =	stream.indirect.gather @!p6 [hbm4b:s1+s19], $0x80, s30, s19, $0xb8;
	[tilespmem:$0x18380] =	vst v63  }
0x173: {  	s12 =	simm.s32 @!p4 $0xA;
	s15 =	simm.s32 @!p4 $0x8180;
	vm1 =	vlt.s32 @!p2 v10, v6;
	vm0 =	vlt.s32 @!p2 v9, v6;
	v8 =	vor.u32 @!p2 s20, v7;
	s9 =	sadd.s32 @!p2 $0xFFFFFFC0, s26  }
.LBB2_13:
0x174: {  	p3 =	por p4, !p3  }
0x175: {  	[hbm4b:s5+s18] =	stream.indirect.scatter @!p3 [tilespmem:s17], [sflag:$0xA], $0x80, s15, s18, $0xb8;
	[tilespmem:$0x18380] =	vst v63  }
0x176: {  	_ =	swait.ge @!p3 [sflag:s12], $0x2000  }
0x177: {  	v10 =	vsel @!p2 vm1, v10, v6;
	[sflag:s12] =	ssyncset.done @!p3 $0x0  }
0x178: {  	s0 =	simm.s32 @!p1 $0x1;
	[sflag:s12] =	ssyncadd.s32 @!p3 $0xFFFFE000  }
0x179: {  	_ =	swait.ge @!p1 [sflag:s0], $0x2000  }
0x17a: {  	[sflag:s0] =	ssyncset.done @!p1 $0x0  }
0x17b: {  	[sflag:s0] =	ssyncadd.s32 @!p1 $0xFFFFE000;
	s0 =	simm.s32 @!p2 $0x4000  }
0x17c: {  	v11 =	vld.idx.msk @!p2 [tilespmem:v10+s0+$0x0], $0xffff  }
0x17d: {  	v9 =	vsel @!p2 vm0, v9, v6;
	v10 =	vadd.s32 @!p2 v5, v10  }
0x17e: {  	v10 =	vand.u32 @!p2 $0x1FFF, v10  }
0x17f: {  	v10 =	vor.u32 @!p2 v1, v10  }
0x180: {  	[tilespmem:$0x8180] =	vst @!p2 v10  }
0x181: {  	[tilespmem:$0x8080] =	vst @!p2 v11  }
0x182: {  	vm0 =	vlt.s32 @!p2 v8, v6;
	v10 =	vld.idx.msk @!p2 [tilespmem:v9+s0+$0x0], $0xffff  }
0x183: {  	v8 =	vsel @!p2 vm0, v8, v6;
	v9 =	vadd.s32 @!p2 v5, v9  }
0x184: {  	v9 =	vand.u32 @!p2 $0x1FFF, v9  }
0x185: {  	v9 =	vor.u32 @!p2 v1, v9  }
0x186: {  	[tilespmem:$0x8190] =	vst @!p2 v9  }
0x187: {  	v7 =	vor.u32 @!p2 s9, v7;
	[tilespmem:$0x8090] =	vst @!p2 v10  }
0x188: {  	vm0 =	vlt.s32 @!p2 v7, v6;
	v9 =	vld.idx.msk @!p2 [tilespmem:v8+s0+$0x0], $0xffff  }
0x189: {  	v7 =	vsel @!p2 vm0, v7, v6;
	v8 =	vadd.s32 @!p2 v5, v8  }
0x18a: {  	v8 =	vand.u32 @!p2 $0x1FFF, v8  }
0x18b: {  	v8 =	vor.u32 @!p2 v1, v8  }
0x18c: {  	[tilespmem:$0x81A0] =	vst @!p2 v8  }
0x18d: {  	[tilespmem:$0x80A0] =	vst @!p2 v9  }
0x18e: {  	v8 =	vld.idx.msk @!p2 [tilespmem:v7+s0+$0x0], $0xffff  }
0x18f: {  	v7 =	vadd.s32 @!p2 v5, v7  }
0x190: {  	v7 =	vand.u32 @!p2 $0x1FFF, v7  }
0x191: {  	v7 =	vor.u32 @!p2 v1, v7  }
0x192: {  	s2 =	simm.s32 @!p2 $0x40;
	[tilespmem:$0x81B0] =	vst @!p2 v7  }
0x193: {  	s8 =	simm.s32 @!p2 $0x8080;
	s9 =	simm.s32 @!p2 $0xA380;
	s0 =	simm.s32 @!p1 $0x9;
	[tilespmem:$0x80B0] =	vst @!p2 v8  }
0x194: {  	[tilespmem:s9], [sflag:$0x2] =	stream.indirect.gather @!p2 [hbm4b:s1+s2], $0x80, s8, s2, $0xb8;
	[tilespmem:$0x18380] =	vst v63  }
0x195: {  	s2 =	simm.s32 @!p1 $0x40;
	s8 =	simm.s32 @!p1 $0x8100;
	s9 =	simm.s32 @!p1 $0x8380  }
0x196: {  	[hbm4b:s5+s2] =	stream.indirect.scatter @!p1 [tilespmem:s9], [sflag:$0x9], $0x80, s8, s2, $0xb8;
	[tilespmem:$0x18380] =	vst v63  }
0x197: {  	_ =	swait.ge @!p1 [sflag:s0], $0x2000  }
0x198: {  	s30 =	rddreg [dreg:$0x7]  }
0x199: {  	p2 =	sge.s32 s11, s30  }
0x19a: {  	p3 =	sge.s32 @!p2 s28, s25  }
0x19b: {  	p3 =	por p3, p2  }
0x19c: {  	s2 =	sadd.s32 @!p3 $0xFFFFFFD0, s26;
	v7 =	vlaneseq.u32 @!p3  }
0x19d: {  	v8 =	vor.u32 @!p3 s2, v7  }
0x19e: {  	vm0 =	vlt.s32 @!p3 v8, v6  }
0x19f: {  	[sflag:s0] =	ssyncset.done @!p1 $0x0;
	v8 =	vsel @!p3 vm0, v8, v6  }
0x1a0: {  	[sflag:s0] =	ssyncadd.s32 @!p1 $0xFFFFE000;
	s0 =	simm.s32 @!p2 $0x2  }
0x1a1: {  	_ =	swait.ge @!p2 [sflag:s0], $0x2000  }
0x1a2: {  	[sflag:s0] =	ssyncset.done @!p2 $0x0;
	s2 =	sadd.s32 @!p3 $0xFFFFFFE0, s26  }
0x1a3: {  	[sflag:s0] =	ssyncadd.s32 @!p2 $0xFFFFE000;
	s0 =	simm.s32 @!p3 $0x4000;
	v9 =	vor.u32 @!p3 s2, v7  }
0x1a4: {  	vm0 =	vlt.s32 @!p3 v9, v6;
	v10 =	vld.idx.msk @!p3 [tilespmem:v8+s0+$0x0], $0xffff  }
0x1a5: {  	v9 =	vsel @!p3 vm0, v9, v6;
	v8 =	vadd.s32 @!p3 v5, v8  }
0x1a6: {  	v8 =	vand.u32 @!p3 $0x1FFF, v8  }
0x1a7: {  	v8 =	vor.u32 @!p3 v1, v8  }
0x1a8: {  	s2 =	sadd.s32 @!p3 $0xFFFFFFF0, s26;
	[tilespmem:$0x8100] =	vst @!p3 v8  }
0x1a9: {  	v8 =	vor.u32 @!p3 s2, v7;
	[tilespmem:$0x8000] =	vst @!p3 v10  }
0x1aa: {  	vm0 =	vlt.s32 @!p3 v8, v6;
	v10 =	vld.idx.msk @!p3 [tilespmem:v9+s0+$0x0], $0xffff  }
0x1ab: {  	v8 =	vsel @!p3 vm0, v8, v6;
	v9 =	vadd.s32 @!p3 v5, v9  }
0x1ac: {  	v9 =	vand.u32 @!p3 $0x1FFF, v9  }
0x1ad: {  	v9 =	vor.u32 @!p3 v1, v9  }
0x1ae: {  	[tilespmem:$0x8110] =	vst @!p3 v9  }
0x1af: {  	v7 =	vor.u32 @!p3 s26, v7;
	[tilespmem:$0x8010] =	vst @!p3 v10  }
0x1b0: {  	vm0 =	vlt.s32 @!p3 v7, v6;
	v9 =	vld.idx.msk @!p3 [tilespmem:v8+s0+$0x0], $0xffff  }
0x1b1: {  	v6 =	vsel @!p3 vm0, v7, v6;
	v8 =	vadd.s32 @!p3 v5, v8  }
0x1b2: {  	v7 =	vand.u32 @!p3 $0x1FFF, v8  }
0x1b3: {  	v7 =	vor.u32 @!p3 v1, v7  }
0x1b4: {  	[tilespmem:$0x8120] =	vst @!p3 v7  }
0x1b5: {  	[tilespmem:$0x8020] =	vst @!p3 v9  }
0x1b6: {  	v7 =	vld.idx.msk @!p3 [tilespmem:v6+s0+$0x0], $0xffff  }
0x1b7: {  	v5 =	vadd.s32 @!p3 v5, v6  }
0x1b8: {  	v5 =	vand.u32 @!p3 $0x1FFF, v5  }
0x1b9: {  	v5 =	vor.u32 @!p3 v1, v5  }
0x1ba: {  	[tilespmem:$0x8130] =	vst @!p3 v5  }
0x1bb: {  	s8 =	simm.s32 @!p3 $0x40;
	s9 =	simm.s32 @!p3 $0x8000;
	s2 =	simm.s32 @!p3 $0x8380;
	[tilespmem:$0x8030] =	vst @!p3 v7  }
0x1bc: {  	[tilespmem:s2], [sflag:$0x1] =	stream.indirect.gather @!p3 [hbm4b:s1+s8], $0x80, s9, s8, $0xb8;
	[tilespmem:$0x18380] =	vst v63  }
0x1bd: {  	s2 =	simm.s32 @!p2 $0x8180;
	s8 =	simm.s32 @!p2 $0xA380;
	s9 =	simm.s32 @!p2 $0x40  }
0x1be: {  	[hbm4b:s5+s9] =	stream.indirect.scatter @!p2 [tilespmem:s8], [sflag:$0xA], $0x80, s2, s9, $0xb8;
	[tilespmem:$0x18380] =	vst v63  }
.Ltmp13:
0x1bf: {  	s0 =	simm.s32 @!p2 $0xA;
	(pc) =	sbr.rel .LBB2_15-.Ltmp13, $4  }
0x1c0: {  	_ =	swait.ge @!p2 [sflag:s0], $0x2000  }
0x1c1: {  	s2 =	rddreg [dreg:$0x9]  }
0x1c2: {  	[sflag:s0] =	ssyncset.done @!p2 $0x0;
	s9 =	rddreg [dreg:$0x16]  }
0x1c3: {  	[sflag:s0] =	ssyncadd.s32 @!p2 $0xFFFFE000;
	s0 =	rddreg [dreg:$0x8]  }
.LBB2_10:
.Ltmp14:
0x1c4: {  	(pc) =	sbr.rel .LBB2_13-.Ltmp14, $2  }
0x1c5: {  	_ =	sdelay $0x2  }
0x1c6: {  	_ = 	snop  }
.LBB2_16:
0x1c7: {  	_ =	sfence.sel $0x180000  }
0x1c8: {  	[bflag:$0x0] =	sbarrier.arrive $0xFFFF  }
0x1c9: {  	_ =	strace $0x90000047  }
0x1ca: {  	s0 =	stileid.u32;
	[bflag:$0x2] =	sbarrier.arrive $0xFFFF  }
0x1cb: {  	p0 =	sne.s32 s0, $0x0;
	s0 =	rddreg [dreg:$0x6]  }
0x1cc: {  	s0 =	sadd.s32 @!p0 $0x100000, s0  }
0x1cd: {  	[sflag:s0] =	ssyncadd.tile.s32 @!p0 $0x1;
	_ =	shalt  }
.Lfunc_end2:
_tile_overlayer_lowered:
.L_overlay_start_2:
0x1ce: {  	(tag) =	ssettag $0x2  }
0x1cf: {  	s0 =	rddreg [dreg:$0x0];
	s2 =	stileid.u32  }
0x1d0: {  	s1 =	rddreg [dreg:$0x1];
	p0 =	sne.s32 s2, $0x0  }
0x1d1: {  	s3 =	rddreg [dreg:$0x2];
	[bflag:$0x3] =	sbarrier.arrive $0xFFFF;
	s2 =	simm.s32 @!p0 $0x1C11  }
0x1d2: {  	[timem:s3], [sflag:s2] =	dma.local @!p0 [hbm:s0], s1  }
0x1d3: {  	s0 =	simm.s32 @!p0 $0x11  }
0x1d4: {  	_ =	swait.ge @!p0 [sflag:s0], s1  }
0x1d5: {  	s1 =	ssub.s32 @!p0 $0x0, s1;
	[sflag:s0] =	ssyncset.done @!p0 $0x0  }
0x1d6: {  	[sflag:s0] =	ssyncadd.s32 @!p0 s1  }
0x1d7: {  	[bflag:$0x3] =	sbarrier.arrive $0xFFFF  }
0x1d8: {  	_ =	shalt  }

</sc_bundles>
